<compile_context>
chip_gen: v7x
topology: tpu7x:2x2x1
jax: 0.10.2.dev20260603
libtpu: 0.0.44.dev20260713+nightly
codegen_flags: <defaults>
</compile_context>

<pallas_src>
import functools

import jax
import jax.numpy as jnp
from jax.experimental import pallas as pl
from jax.experimental.pallas import tpu as pltpu
from jax.experimental.pallas import tpu_sc as plsc

_D0, _D1, _D2 = 2, 4, 10

_mesh = plsc.ScalarSubcoreMesh(axis_name="c", num_cores=1)


@functools.partial(
    pl.kernel,
    mesh=_mesh,
    out_type=jax.ShapeDtypeStruct((_D0, _D1, _D2), jnp.float32),
    scratch_types=[
        pltpu.SMEM((_D0, _D1, 1), jnp.float32),
        pltpu.SMEM((_D0, _D1, _D2), jnp.float32),
        pltpu.SMEM((_D0, _D1, _D2), jnp.float32),
        pltpu.SemaphoreType.DMA,
    ],
)
def _sc_broadcast_mul(a_hbm, b_hbm, out_hbm, a_s, b_s, o_s, sem):
    cp_a = pltpu.make_async_copy(a_hbm, a_s, sem)
    cp_b = pltpu.make_async_copy(b_hbm, b_s, sem)
    cp_a.start()
    cp_b.start()
    cp_a.wait()
    cp_b.wait()
    for i in range(_D0):
        for j in range(_D1):
            aij = a_s[i, j, 0]
            for k in range(_D2):
                o_s[i, j, k] = aij * b_s[i, j, k]
    pltpu.sync_copy(o_s, out_hbm)


def kernel(x, a_dense, b_dense):
    del x
    return _sc_broadcast_mul(a_dense, b_dense)

# --- scband reference (transcript-rebuilt; emitter-appended) ---
"""Pipeline reference for scband-my-model-61933428409263 (READ-ONLY COPY).

The authoritative reference and input builder live on the scoring server;
editing this copy changes nothing except your own understanding.
"""

import jax, jax.numpy as jnp
import numpy as np


def _build_sparse_dense():
    # torch.sparse_coo_tensor(i, ones(3,1), [2,4,1]) and (i, ones(3,10), [2,4,10])
    idx = jnp.array([[0, 1, 1], [2, 0, 2]], dtype=jnp.int32)
    a = jnp.zeros((2, 4, 1), dtype=jnp.float32).at[idx[0], idx[1]].add(
        jnp.ones((3, 1), dtype=jnp.float32))
    b = jnp.zeros((2, 4, 10), dtype=jnp.float32).at[idx[0], idx[1]].add(
        jnp.ones((3, 10), dtype=jnp.float32))
    return a, b


def setup_inputs(seed: int = 0) -> dict:
    key = jax.random.key(seed)
    x = jax.random.normal(key, (1024, 128), dtype=jnp.float32)
    a_dense, b_dense = _build_sparse_dense()
    return {"x": x, "a_dense": a_dense, "b_dense": b_dense}


def reference(x, a_dense, b_dense):
    # torch.mul on two sparse COO tensors with identical index sets is an
    # elementwise product; values ones(3,1) broadcast against ones(3,10).
    # Dense-equivalent: elementwise multiply of the densified tensors
    # (a has trailing dim 1, broadcast to 10).
    result = a_dense * b_dense  # shape [2, 4, 10]
    return result

if __name__ == "__main__":
    import jax
    _d = setup_inputs()
    print(jax.jit(kernel)(*tuple(_d.values())))

</pallas_src>

<mosaic_0001>
#map = affine_map<(d0) -> (0, 0, 0)>
module attributes {stable_mosaic.version = 14 : i64} {
  func.func @_sc_broadcast_mul(%arg0: i32, %arg1: memref<2x4x1xf32, #tpu.memory_space<hbm>>, %arg2: memref<2x4x10xf32, #tpu.memory_space<hbm>>, %arg3: memref<2x4x10xf32, #tpu.memory_space<hbm>>, %arg4: memref<2x4x1xf32, #tpu.memory_space<smem>>, %arg5: memref<2x4x10xf32, #tpu.memory_space<smem>>, %arg6: memref<2x4x10xf32, #tpu.memory_space<smem>>, %arg7: memref<!tpu.dma_semaphore, #tpu.memory_space<semaphore_mem>>) attributes {dimension_semantics = [#tpu.dimension_semantics<core_parallel>], iteration_bounds = array<i64: 1>, scalar_prefetch = 0 : i64, scratch_operands = 4 : i64, tpu.core_type = #tpu.core_type<sc_scalar_subcore>, window_params = [{transform_indices = #map}, {transform_indices = #map}, {transform_indices = #map}]} {
    tpu.enqueue_dma source(%arg1 : memref<2x4x1xf32, #tpu.memory_space<hbm>>) target(%arg4 : memref<2x4x1xf32, #tpu.memory_space<smem>>) target_semaphore(%arg7 : memref<!tpu.dma_semaphore, #tpu.memory_space<semaphore_mem>>)
    tpu.enqueue_dma source(%arg2 : memref<2x4x10xf32, #tpu.memory_space<hbm>>) target(%arg5 : memref<2x4x10xf32, #tpu.memory_space<smem>>) target_semaphore(%arg7 : memref<!tpu.dma_semaphore, #tpu.memory_space<semaphore_mem>>)
    tpu.wait_dma2 semaphore(%arg7 : memref<!tpu.dma_semaphore, #tpu.memory_space<semaphore_mem>>) src(%arg1 : memref<2x4x1xf32, #tpu.memory_space<hbm>>) dst(%arg4 : memref<2x4x1xf32, #tpu.memory_space<smem>>)
    tpu.wait_dma2 semaphore(%arg7 : memref<!tpu.dma_semaphore, #tpu.memory_space<semaphore_mem>>) src(%arg2 : memref<2x4x10xf32, #tpu.memory_space<hbm>>) dst(%arg5 : memref<2x4x10xf32, #tpu.memory_space<smem>>)
    %get3A = arith.constant 0 : i32
    %get3A_0 = arith.constant 0 : i32
    %get3A_1 = arith.constant 0 : i32
    %get3A_2 = arith.index_cast %get3A : i32 to index
    %get3A_3 = arith.index_cast %get3A_0 : i32 to index
    %get3A_4 = arith.index_cast %get3A_1 : i32 to index
    %get3A_5 = memref.load %arg4[%get3A_2, %get3A_3, %get3A_4] : memref<2x4x1xf32, #tpu.memory_space<smem>>
    %get3A_6 = arith.constant 0 : i32
    %get3A_7 = arith.constant 0 : i32
    %get3A_8 = arith.constant 0 : i32
    %get3A_9 = arith.index_cast %get3A_6 : i32 to index
    %get3A_10 = arith.index_cast %get3A_7 : i32 to index
    %get3A_11 = arith.index_cast %get3A_8 : i32 to index
    %get3A_12 = memref.load %arg5[%get3A_9, %get3A_10, %get3A_11] : memref<2x4x10xf32, #tpu.memory_space<smem>>
    %mul3A = arith.mulf %get3A_5, %get3A_12 : f32
    %swap3A = arith.constant 0 : i32
    %swap3A_13 = arith.constant 0 : i32
    %swap3A_14 = arith.constant 0 : i32
    %swap3A_15 = arith.index_cast %swap3A : i32 to index
    %swap3A_16 = arith.index_cast %swap3A_13 : i32 to index
    %swap3A_17 = arith.index_cast %swap3A_14 : i32 to index
    %swap3A_18 = memref.load %arg6[%swap3A_15, %swap3A_16, %swap3A_17] : memref<2x4x10xf32, #tpu.memory_space<smem>>
    memref.store %mul3A, %arg6[%swap3A_15, %swap3A_16, %swap3A_17] : memref<2x4x10xf32, #tpu.memory_space<smem>>
    %get3A_19 = arith.constant 0 : i32
    %get3A_20 = arith.constant 0 : i32
    %get3A_21 = arith.constant 1 : i32
    %get3A_22 = arith.index_cast %get3A_19 : i32 to index
    %get3A_23 = arith.index_cast %get3A_20 : i32 to index
    %get3A_24 = arith.index_cast %get3A_21 : i32 to index
    %get3A_25 = memref.load %arg5[%get3A_22, %get3A_23, %get3A_24] : memref<2x4x10xf32, #tpu.memory_space<smem>>
    %mul3A_26 = arith.mulf %get3A_5, %get3A_25 : f32
    %swap3A_27 = arith.constant 0 : i32
    %swap3A_28 = arith.constant 0 : i32
    %swap3A_29 = arith.constant 1 : i32
    %swap3A_30 = arith.index_cast %swap3A_27 : i32 to index
    %swap3A_31 = arith.index_cast %swap3A_28 : i32 to index
    %swap3A_32 = arith.index_cast %swap3A_29 : i32 to index
    %swap3A_33 = memref.load %arg6[%swap3A_30, %swap3A_31, %swap3A_32] : memref<2x4x10xf32, #tpu.memory_space<smem>>
    memref.store %mul3A_26, %arg6[%swap3A_30, %swap3A_31, %swap3A_32] : memref<2x4x10xf32, #tpu.memory_space<smem>>
    %get3A_34 = arith.constant 0 : i32
    %get3A_35 = arith.constant 0 : i32
    %get3A_36 = arith.constant 2 : i32
    %get3A_37 = arith.index_cast %get3A_34 : i32 to index
    %get3A_38 = arith.index_cast %get3A_35 : i32 to index
    %get3A_39 = arith.index_cast %get3A_36 : i32 to index
    %get3A_40 = memref.load %arg5[%get3A_37, %get3A_38, %get3A_39] : memref<2x4x10xf32, #tpu.memory_space<smem>>
    %mul3A_41 = arith.mulf %get3A_5, %get3A_40 : f32
    %swap3A_42 = arith.constant 0 : i32
    %swap3A_43 = arith.constant 0 : i32
    %swap3A_44 = arith.constant 2 : i32
    %swap3A_45 = arith.index_cast %swap3A_42 : i32 to index
    %swap3A_46 = arith.index_cast %swap3A_43 : i32 to index
    %swap3A_47 = arith.index_cast %swap3A_44 : i32 to index
    %swap3A_48 = memref.load %arg6[%swap3A_45, %swap3A_46, %swap3A_47] : memref<2x4x10xf32, #tpu.memory_space<smem>>
    memref.store %mul3A_41, %arg6[%swap3A_45, %swap3A_46, %swap3A_47] : memref<2x4x10xf32, #tpu.memory_space<smem>>
    %get3A_49 = arith.constant 0 : i32
    %get3A_50 = arith.constant 0 : i32
    %get3A_51 = arith.constant 3 : i32
    %get3A_52 = arith.index_cast %get3A_49 : i32 to index
    %get3A_53 = arith.index_cast %get3A_50 : i32 to index
    %get3A_54 = arith.index_cast %get3A_51 : i32 to index
    %get3A_55 = memref.load %arg5[%get3A_52, %get3A_53, %get3A_54] : memref<2x4x10xf32, #tpu.memory_space<smem>>
    %mul3A_56 = arith.mulf %get3A_5, %get3A_55 : f32
    %swap3A_57 = arith.constant 0 : i32
    %swap3A_58 = arith.constant 0 : i32
    %swap3A_59 = arith.constant 3 : i32
    %swap3A_60 = arith.index_cast %swap3A_57 : i32 to index
    %swap3A_61 = arith.index_cast %swap3A_58 : i32 to index
    %swap3A_62 = arith.index_cast %swap3A_59 : i32 to index
    %swap3A_63 = memref.load %arg6[%swap3A_60, %swap3A_61, %swap3A_62] : memref<2x4x10xf32, #tpu.memory_space<smem>>
    memref.store %mul3A_56, %arg6[%swap3A_60, %swap3A_61, %swap3A_62] : memref<2x4x10xf32, #tpu.memory_space<smem>>
    %get3A_64 = arith.constant 0 : i32
    %get3A_65 = arith.constant 0 : i32
    %get3A_66 = arith.constant 4 : i32
    %get3A_67 = arith.index_cast %get3A_64 : i32 to index
    %get3A_68 = arith.index_cast %get3A_65 : i32 to index
    %get3A_69 = arith.index_cast %get3A_66 : i32 to index
    %get3A_70 = memref.load %arg5[%get3A_67, %get3A_68, %get3A_69] : memref<2x4x10xf32, #tpu.memory_space<smem>>
    %mul3A_71 = arith.mulf %get3A_5, %get3A_70 : f32
    %swap3A_72 = arith.constant 0 : i32
    %swap3A_73 = arith.constant 0 : i32
    %swap3A_74 = arith.constant 4 : i32
    %swap3A_75 = arith.index_cast %swap3A_72 : i32 to index
    %swap3A_76 = arith.index_cast %swap3A_73 : i32 to index
    %swap3A_77 = arith.index_cast %swap3A_74 : i32 to index
    %swap3A_78 = memref.load %arg6[%swap3A_75, %swap3A_76, %swap3A_77] : memref<2x4x10xf32, #tpu.memory_space<smem>>
    memref.store %mul3A_71, %arg6[%swap3A_75, %swap3A_76, %swap3A_77] : memref<2x4x10xf32, #tpu.memory_space<smem>>
    %get3A_79 = arith.constant 0 : i32
    %get3A_80 = arith.constant 0 : i32
    %get3A_81 = arith.constant 5 : i32
    %get3A_82 = arith.index_cast %get3A_79 : i32 to index
    %get3A_83 = arith.index_cast %get3A_80 : i32 to index
    %get3A_84 = arith.index_cast %get3A_81 : i32 to index
    %get3A_85 = memref.load %arg5[%get3A_82, %get3A_83, %get3A_84] : memref<2x4x10xf32, #tpu.memory_space<smem>>
    %mul3A_86 = arith.mulf %get3A_5, %get3A_85 : f32
    %swap3A_87 = arith.constant 0 : i32
    %swap3A_88 = arith.constant 0 : i32
    %swap3A_89 = arith.constant 5 : i32
    %swap3A_90 = arith.index_cast %swap3A_87 : i32 to index
    %swap3A_91 = arith.index_cast %swap3A_88 : i32 to index
    %swap3A_92 = arith.index_cast %swap3A_89 : i32 to index
    %swap3A_93 = memref.load %arg6[%swap3A_90, %swap3A_91, %swap3A_92] : memref<2x4x10xf32, #tpu.memory_space<smem>>
    memref.store %mul3A_86, %arg6[%swap3A_90, %swap3A_91, %swap3A_92] : memref<2x4x10xf32, #tpu.memory_space<smem>>
    %get3A_94 = arith.constant 0 : i32
    %get3A_95 = arith.constant 0 : i32
    %get3A_96 = arith.constant 6 : i32
    %get3A_97 = arith.index_cast %get3A_94 : i32 to index
    %get3A_98 = arith.index_cast %get3A_95 : i32 to index
    %get3A_99 = arith.index_cast %get3A_96 : i32 to index
    %get3A_100 = memref.load %arg5[%get3A_97, %get3A_98, %get3A_99] : memref<2x4x10xf32, #tpu.memory_space<smem>>
    %mul3A_101 = arith.mulf %get3A_5, %get3A_100 : f32
    %swap3A_102 = arith.constant 0 : i32
    %swap3A_103 = arith.constant 0 : i32
    %swap3A_104 = arith.constant 6 : i32
    %swap3A_105 = arith.index_cast %swap3A_102 : i32 to index
    %swap3A_106 = arith.index_cast %swap3A_103 : i32 to index
    %swap3A_107 = arith.index_cast %swap3A_104 : i32 to index
    %swap3A_108 = memref.load %arg6[%swap3A_105, %swap3A_106, %swap3A_107] : memref<2x4x10xf32, #tpu.memory_space<smem>>
    memref.store %mul3A_101, %arg6[%swap3A_105, %swap3A_106, %swap3A_107] : memref<2x4x10xf32, #tpu.memory_space<smem>>
    %get3A_109 = arith.constant 0 : i32
    %get3A_110 = arith.constant 0 : i32
    %get3A_111 = arith.constant 7 : i32
    %get3A_112 = arith.index_cast %get3A_109 : i32 to index
    %get3A_113 = arith.index_cast %get3A_110 : i32 to index
    %get3A_114 = arith.index_cast %get3A_111 : i32 to index
    %get3A_115 = memref.load %arg5[%get3A_112, %get3A_113, %get3A_114] : memref<2x4x10xf32, #tpu.memory_space<smem>>
    %mul3A_116 = arith.mulf %get3A_5, %get3A_115 : f32
    %swap3A_117 = arith.constant 0 : i32
    %swap3A_118 = arith.constant 0 : i32
    %swap3A_119 = arith.constant 7 : i32
    %swap3A_120 = arith.index_cast %swap3A_117 : i32 to index
    %swap3A_121 = arith.index_cast %swap3A_118 : i32 to index
    %swap3A_122 = arith.index_cast %swap3A_119 : i32 to index
    %swap3A_123 = memref.load %arg6[%swap3A_120, %swap3A_121, %swap3A_122] : memref<2x4x10xf32, #tpu.memory_space<smem>>
    memref.store %mul3A_116, %arg6[%swap3A_120, %swap3A_121, %swap3A_122] : memref<2x4x10xf32, #tpu.memory_space<smem>>
    %get3A_124 = arith.constant 0 : i32
    %get3A_125 = arith.constant 0 : i32
    %get3A_126 = arith.constant 8 : i32
    %get3A_127 = arith.index_cast %get3A_124 : i32 to index
    %get3A_128 = arith.index_cast %get3A_125 : i32 to index
    %get3A_129 = arith.index_cast %get3A_126 : i32 to index
    %get3A_130 = memref.load %arg5[%get3A_127, %get3A_128, %get3A_129] : memref<2x4x10xf32, #tpu.memory_space<smem>>
    %mul3A_131 = arith.mulf %get3A_5, %get3A_130 : f32
    %swap3A_132 = arith.constant 0 : i32
    %swap3A_133 = arith.constant 0 : i32
    %swap3A_134 = arith.constant 8 : i32
    %swap3A_135 = arith.index_cast %swap3A_132 : i32 to index
    %swap3A_136 = arith.index_cast %swap3A_133 : i32 to index
    %swap3A_137 = arith.index_cast %swap3A_134 : i32 to index
    %swap3A_138 = memref.load %arg6[%swap3A_135, %swap3A_136, %swap3A_137] : memref<2x4x10xf32, #tpu.memory_space<smem>>
    memref.store %mul3A_131, %arg6[%swap3A_135, %swap3A_136, %swap3A_137] : memref<2x4x10xf32, #tpu.memory_space<smem>>
    %get3A_139 = arith.constant 0 : i32
    %get3A_140 = arith.constant 0 : i32
    %get3A_141 = arith.constant 9 : i32
    %get3A_142 = arith.index_cast %get3A_139 : i32 to index
    %get3A_143 = arith.index_cast %get3A_140 : i32 to index
    %get3A_144 = arith.index_cast %get3A_141 : i32 to index
    %get3A_145 = memref.load %arg5[%get3A_142, %get3A_143, %get3A_144] : memref<2x4x10xf32, #tpu.memory_space<smem>>
    %mul3A_146 = arith.mulf %get3A_5, %get3A_145 : f32
    %swap3A_147 = arith.constant 0 : i32
    %swap3A_148 = arith.constant 0 : i32
    %swap3A_149 = arith.constant 9 : i32
    %swap3A_150 = arith.index_cast %swap3A_147 : i32 to index
    %swap3A_151 = arith.index_cast %swap3A_148 : i32 to index
    %swap3A_152 = arith.index_cast %swap3A_149 : i32 to index
    %swap3A_153 = memref.load %arg6[%swap3A_150, %swap3A_151, %swap3A_152] : memref<2x4x10xf32, #tpu.memory_space<smem>>
    memref.store %mul3A_146, %arg6[%swap3A_150, %swap3A_151, %swap3A_152] : memref<2x4x10xf32, #tpu.memory_space<smem>>
    %get3A_154 = arith.constant 0 : i32
    %get3A_155 = arith.constant 1 : i32
    %get3A_156 = arith.constant 0 : i32
    %get3A_157 = arith.index_cast %get3A_154 : i32 to index
    %get3A_158 = arith.index_cast %get3A_155 : i32 to index
    %get3A_159 = arith.index_cast %get3A_156 : i32 to index
    %get3A_160 = memref.load %arg4[%get3A_157, %get3A_158, %get3A_159] : memref<2x4x1xf32, #tpu.memory_space<smem>>
    %get3A_161 = arith.constant 0 : i32
    %get3A_162 = arith.constant 1 : i32
    %get3A_163 = arith.constant 0 : i32
    %get3A_164 = arith.index_cast %get3A_161 : i32 to index
    %get3A_165 = arith.index_cast %get3A_162 : i32 to index
    %get3A_166 = arith.index_cast %get3A_163 : i32 to index
    %get3A_167 = memref.load %arg5[%get3A_164, %get3A_165, %get3A_166] : memref<2x4x10xf32, #tpu.memory_space<smem>>
    %mul3A_168 = arith.mulf %get3A_160, %get3A_167 : f32
    %swap3A_169 = arith.constant 0 : i32
    %swap3A_170 = arith.constant 1 : i32
    %swap3A_171 = arith.constant 0 : i32
    %swap3A_172 = arith.index_cast %swap3A_169 : i32 to index
    %swap3A_173 = arith.index_cast %swap3A_170 : i32 to index
    %swap3A_174 = arith.index_cast %swap3A_171 : i32 to index
    %swap3A_175 = memref.load %arg6[%swap3A_172, %swap3A_173, %swap3A_174] : memref<2x4x10xf32, #tpu.memory_space<smem>>
    memref.store %mul3A_168, %arg6[%swap3A_172, %swap3A_173, %swap3A_174] : memref<2x4x10xf32, #tpu.memory_space<smem>>
    %get3A_176 = arith.constant 0 : i32
    %get3A_177 = arith.constant 1 : i32
    %get3A_178 = arith.constant 1 : i32
    %get3A_179 = arith.index_cast %get3A_176 : i32 to index
    %get3A_180 = arith.index_cast %get3A_177 : i32 to index
    %get3A_181 = arith.index_cast %get3A_178 : i32 to index
    %get3A_182 = memref.load %arg5[%get3A_179, %get3A_180, %get3A_181] : memref<2x4x10xf32, #tpu.memory_space<smem>>
    %mul3A_183 = arith.mulf %get3A_160, %get3A_182 : f32
    %swap3A_184 = arith.constant 0 : i32
    %swap3A_185 = arith.constant 1 : i32
    %swap3A_186 = arith.constant 1 : i32
    %swap3A_187 = arith.index_cast %swap3A_184 : i32 to index
    %swap3A_188 = arith.index_cast %swap3A_185 : i32 to index
    %swap3A_189 = arith.index_cast %swap3A_186 : i32 to index
    %swap3A_190 = memref.load %arg6[%swap3A_187, %swap3A_188, %swap3A_189] : memref<2x4x10xf32, #tpu.memory_space<smem>>
    memref.store %mul3A_183, %arg6[%swap3A_187, %swap3A_188, %swap3A_189] : memref<2x4x10xf32, #tpu.memory_space<smem>>
    %get3A_191 = arith.constant 0 : i32
    %get3A_192 = arith.constant 1 : i32
    %get3A_193 = arith.constant 2 : i32
    %get3A_194 = arith.index_cast %get3A_191 : i32 to index
    %get3A_195 = arith.index_cast %get3A_192 : i32 to index
    %get3A_196 = arith.index_cast %get3A_193 : i32 to index
    %get3A_197 = memref.load %arg5[%get3A_194, %get3A_195, %get3A_196] : memref<2x4x10xf32, #tpu.memory_space<smem>>
    %mul3A_198 = arith.mulf %get3A_160, %get3A_197 : f32
    %swap3A_199 = arith.constant 0 : i32
    %swap3A_200 = arith.constant 1 : i32
    %swap3A_201 = arith.constant 2 : i32
    %swap3A_202 = arith.index_cast %swap3A_199 : i32 to index
    %swap3A_203 = arith.index_cast %swap3A_200 : i32 to index
    %swap3A_204 = arith.index_cast %swap3A_201 : i32 to index
    %swap3A_205 = memref.load %arg6[%swap3A_202, %swap3A_203, %swap3A_204] : memref<2x4x10xf32, #tpu.memory_space<smem>>
    memref.store %mul3A_198, %arg6[%swap3A_202, %swap3A_203, %swap3A_204] : memref<2x4x10xf32, #tpu.memory_space<smem>>
    %get3A_206 = arith.constant 0 : i32
    %get3A_207 = arith.constant 1 : i32
    %get3A_208 = arith.constant 3 : i32
    %get3A_209 = arith.index_cast %get3A_206 : i32 to index
    %get3A_210 = arith.index_cast %get3A_207 : i32 to index
    %get3A_211 = arith.index_cast %get3A_208 : i32 to index
    %get3A_212 = memref.load %arg5[%get3A_209, %get3A_210, %get3A_211] : memref<2x4x10xf32, #tpu.memory_space<smem>>
    %mul3A_213 = arith.mulf %get3A_160, %get3A_212 : f32
    %swap3A_214 = arith.constant 0 : i32
    %swap3A_215 = arith.constant 1 : i32
    %swap3A_216 = arith.constant 3 : i32
    %swap3A_217 = arith.index_cast %swap3A_214 : i32 to index
    %swap3A_218 = arith.index_cast %swap3A_215 : i32 to index
    %swap3A_219 = arith.index_cast %swap3A_216 : i32 to index
    %swap3A_220 = memref.load %arg6[%swap3A_217, %swap3A_218, %swap3A_219] : memref<2x4x10xf32, #tpu.memory_space<smem>>
    memref.store %mul3A_213, %arg6[%swap3A_217, %swap3A_218, %swap3A_219] : memref<2x4x10xf32, #tpu.memory_space<smem>>
    %get3A_221 = arith.constant 0 : i32
    %get3A_222 = arith.constant 1 : i32
    %get3A_223 = arith.constant 4 : i32
    %get3A_224 = arith.index_cast %get3A_221 : i32 to index
    %get3A_225 = arith.index_cast %get3A_222 : i32 to index
    %get3A_226 = arith.index_cast %get3A_223 : i32 to index
    %get3A_227 = memref.load %arg5[%get3A_224, %get3A_225, %get3A_226] : memref<2x4x10xf32, #tpu.memory_space<smem>>
    %mul3A_228 = arith.mulf %get3A_160, %get3A_227 : f32
    %swap3A_229 = arith.constant 0 : i32
    %swap3A_230 = arith.constant 1 : i32
    %swap3A_231 = arith.constant 4 : i32
    %swap3A_232 = arith.index_cast %swap3A_229 : i32 to index
    %swap3A_233 = arith.index_cast %swap3A_230 : i32 to index
    %swap3A_234 = arith.index_cast %swap3A_231 : i32 to index
    %swap3A_235 = memref.load %arg6[%swap3A_232, %swap3A_233, %swap3A_234] : memref<2x4x10xf32, #tpu.memory_space<smem>>
    memref.store %mul3A_228, %arg6[%swap3A_232, %swap3A_233, %swap3A_234] : memref<2x4x10xf32, #tpu.memory_space<smem>>
    %get3A_236 = arith.constant 0 : i32
    %get3A_237 = arith.constant 1 : i32
    %get3A_238 = arith.constant 5 : i32
    %get3A_239 = arith.index_cast %get3A_236 : i32 to index
    %get3A_240 = arith.index_cast %get3A_237 : i32 to index
    %get3A_241 = arith.index_cast %get3A_238 : i32 to index
    %get3A_242 = memref.load %arg5[%get3A_239, %get3A_240, %get3A_241] : memref<2x4x10xf32, #tpu.memory_space<smem>>
    %mul3A_243 = arith.mulf %get3A_160, %get3A_242 : f32
    %swap3A_244 = arith.constant 0 : i32
    %swap3A_245 = arith.constant 1 : i32
    %swap3A_246 = arith.constant 5 : i32
    %swap3A_247 = arith.index_cast %swap3A_244 : i32 to index
    %swap3A_248 = arith.index_cast %swap3A_245 : i32 to index
    %swap3A_249 = arith.index_cast %swap3A_246 : i32 to index
    %swap3A_250 = memref.load %arg6[%swap3A_247, %swap3A_248, %swap3A_249] : memref<2x4x10xf32, #tpu.memory_space<smem>>
    memref.store %mul3A_243, %arg6[%swap3A_247, %swap3A_248, %swap3A_249] : memref<2x4x10xf32, #tpu.memory_space<smem>>
    %get3A_251 = arith.constant 0 : i32
    %get3A_252 = arith.constant 1 : i32
    %get3A_253 = arith.constant 6 : i32
    %get3A_254 = arith.index_cast %get3A_251 : i32 to index
    %get3A_255 = arith.index_cast %get3A_252 : i32 to index
    %get3A_256 = arith.index_cast %get3A_253 : i32 to index
    %get3A_257 = memref.load %arg5[%get3A_254, %get3A_255, %get3A_256] : memref<2x4x10xf32, #tpu.memory_space<smem>>
    %mul3A_258 = arith.mulf %get3A_160, %get3A_257 : f32
    %swap3A_259 = arith.constant 0 : i32
    %swap3A_260 = arith.constant 1 : i32
    %swap3A_261 = arith.constant 6 : i32
    %swap3A_262 = arith.index_cast %swap3A_259 : i32 to index
    %swap3A_263 = arith.index_cast %swap3A_260 : i32 to index
    %swap3A_264 = arith.index_cast %swap3A_261 : i32 to index
    %swap3A_265 = memref.load %arg6[%swap3A_262, %swap3A_263, %swap3A_264] : memref<2x4x10xf32, #tpu.memory_space<smem>>
    memref.store %mul3A_258, %arg6[%swap3A_262, %swap3A_263, %swap3A_264] : memref<2x4x10xf32, #tpu.memory_space<smem>>
    %get3A_266 = arith.constant 0 : i32
    %get3A_267 = arith.constant 1 : i32
    %get3A_268 = arith.constant 7 : i32
    %get3A_269 = arith.index_cast %get3A_266 : i32 to index
    %get3A_270 = arith.index_cast %get3A_267 : i32 to index
    %get3A_271 = arith.index_cast %get3A_268 : i32 to index
    %get3A_272 = memref.load %arg5[%get3A_269, %get3A_270, %get3A_271] : memref<2x4x10xf32, #tpu.memory_space<smem>>
    %mul3A_273 = arith.mulf %get3A_160, %get3A_272 : f32
    %swap3A_274 = arith.constant 0 : i32
    %swap3A_275 = arith.constant 1 : i32
    %swap3A_276 = arith.constant 7 : i32
    %swap3A_277 = arith.index_cast %swap3A_274 : i32 to index
    %swap3A_278 = arith.index_cast %swap3A_275 : i32 to index
    %swap3A_279 = arith.index_cast %swap3A_276 : i32 to index
    %swap3A_280 = memref.load %arg6[%swap3A_277, %swap3A_278, %swap3A_279] : memref<2x4x10xf32, #tpu.memory_space<smem>>
    memref.store %mul3A_273, %arg6[%swap3A_277, %swap3A_278, %swap3A_279] : memref<2x4x10xf32, #tpu.memory_space<smem>>
    %get3A_281 = arith.constant 0 : i32
    %get3A_282 = arith.constant 1 : i32
    %get3A_283 = arith.constant 8 : i32
    %get3A_284 = arith.index_cast %get3A_281 : i32 to index
    %get3A_285 = arith.index_cast %get3A_282 : i32 to index
    %get3A_286 = arith.index_cast %get3A_283 : i32 to index
    %get3A_287 = memref.load %arg5[%get3A_284, %get3A_285, %get3A_286] : memref<2x4x10xf32, #tpu.memory_space<smem>>
    %mul3A_288 = arith.mulf %get3A_160, %get3A_287 : f32
    %swap3A_289 = arith.constant 0 : i32
    %swap3A_290 = arith.constant 1 : i32
    %swap3A_291 = arith.constant 8 : i32
    %swap3A_292 = arith.index_cast %swap3A_289 : i32 to index
    %swap3A_293 = arith.index_cast %swap3A_290 : i32 to index
    %swap3A_294 = arith.index_cast %swap3A_291 : i32 to index
    %swap3A_295 = memref.load %arg6[%swap3A_292, %swap3A_293, %swap3A_294] : memref<2x4x10xf32, #tpu.memory_space<smem>>
    memref.store %mul3A_288, %arg6[%swap3A_292, %swap3A_293, %swap3A_294] : memref<2x4x10xf32, #tpu.memory_space<smem>>
    %get3A_296 = arith.constant 0 : i32
    %get3A_297 = arith.constant 1 : i32
    %get3A_298 = arith.constant 9 : i32
    %get3A_299 = arith.index_cast %get3A_296 : i32 to index
    %get3A_300 = arith.index_cast %get3A_297 : i32 to index
    %get3A_301 = arith.index_cast %get3A_298 : i32 to index
    %get3A_302 = memref.load %arg5[%get3A_299, %get3A_300, %get3A_301] : memref<2x4x10xf32, #tpu.memory_space<smem>>
    %mul3A_303 = arith.mulf %get3A_160, %get3A_302 : f32
    %swap3A_304 = arith.constant 0 : i32
    %swap3A_305 = arith.constant 1 : i32
    %swap3A_306 = arith.constant 9 : i32
    %swap3A_307 = arith.index_cast %swap3A_304 : i32 to index
    %swap3A_308 = arith.index_cast %swap3A_305 : i32 to index
    %swap3A_309 = arith.index_cast %swap3A_306 : i32 to index
    %swap3A_310 = memref.load %arg6[%swap3A_307, %swap3A_308, %swap3A_309] : memref<2x4x10xf32, #tpu.memory_space<smem>>
    memref.store %mul3A_303, %arg6[%swap3A_307, %swap3A_308, %swap3A_309] : memref<2x4x10xf32, #tpu.memory_space<smem>>
    %get3A_311 = arith.constant 0 : i32
    %get3A_312 = arith.constant 2 : i32
    %get3A_313 = arith.constant 0 : i32
    %get3A_314 = arith.index_cast %get3A_311 : i32 to index
    %get3A_315 = arith.index_cast %get3A_312 : i32 to index
    %get3A_316 = arith.index_cast %get3A_313 : i32 to index
    %get3A_317 = memref.load %arg4[%get3A_314, %get3A_315, %get3A_316] : memref<2x4x1xf32, #tpu.memory_space<smem>>
    %get3A_318 = arith.constant 0 : i32
    %get3A_319 = arith.constant 2 : i32
    %get3A_320 = arith.constant 0 : i32
    %get3A_321 = arith.index_cast %get3A_318 : i32 to index
    %get3A_322 = arith.index_cast %get3A_319 : i32 to index
    %get3A_323 = arith.index_cast %get3A_320 : i32 to index
    %get3A_324 = memref.load %arg5[%get3A_321, %get3A_322, %get3A_323] : memref<2x4x10xf32, #tpu.memory_space<smem>>
    %mul3A_325 = arith.mulf %get3A_317, %get3A_324 : f32
    %swap3A_326 = arith.constant 0 : i32
    %swap3A_327 = arith.constant 2 : i32
    %swap3A_328 = arith.constant 0 : i32
    %swap3A_329 = arith.index_cast %swap3A_326 : i32 to index
    %swap3A_330 = arith.index_cast %swap3A_327 : i32 to index
    %swap3A_331 = arith.index_cast %swap3A_328 : i32 to index
    %swap3A_332 = memref.load %arg6[%swap3A_329, %swap3A_330, %swap3A_331] : memref<2x4x10xf32, #tpu.memory_space<smem>>
    memref.store %mul3A_325, %arg6[%swap3A_329, %swap3A_330, %swap3A_331] : memref<2x4x10xf32, #tpu.memory_space<smem>>
    %get3A_333 = arith.constant 0 : i32
    %get3A_334 = arith.constant 2 : i32
    %get3A_335 = arith.constant 1 : i32
    %get3A_336 = arith.index_cast %get3A_333 : i32 to index
    %get3A_337 = arith.index_cast %get3A_334 : i32 to index
    %get3A_338 = arith.index_cast %get3A_335 : i32 to index
    %get3A_339 = memref.load %arg5[%get3A_336, %get3A_337, %get3A_338] : memref<2x4x10xf32, #tpu.memory_space<smem>>
    %mul3A_340 = arith.mulf %get3A_317, %get3A_339 : f32
    %swap3A_341 = arith.constant 0 : i32
    %swap3A_342 = arith.constant 2 : i32
    %swap3A_343 = arith.constant 1 : i32
    %swap3A_344 = arith.index_cast %swap3A_341 : i32 to index
    %swap3A_345 = arith.index_cast %swap3A_342 : i32 to index
    %swap3A_346 = arith.index_cast %swap3A_343 : i32 to index
    %swap3A_347 = memref.load %arg6[%swap3A_344, %swap3A_345, %swap3A_346] : memref<2x4x10xf32, #tpu.memory_space<smem>>
    memref.store %mul3A_340, %arg6[%swap3A_344, %swap3A_345, %swap3A_346] : memref<2x4x10xf32, #tpu.memory_space<smem>>
    %get3A_348 = arith.constant 0 : i32
    %get3A_349 = arith.constant 2 : i32
    %get3A_350 = arith.constant 2 : i32
    %get3A_351 = arith.index_cast %get3A_348 : i32 to index
    %get3A_352 = arith.index_cast %get3A_349 : i32 to index
    %get3A_353 = arith.index_cast %get3A_350 : i32 to index
    %get3A_354 = memref.load %arg5[%get3A_351, %get3A_352, %get3A_353] : memref<2x4x10xf32, #tpu.memory_space<smem>>
    %mul3A_355 = arith.mulf %get3A_317, %get3A_354 : f32
    %swap3A_356 = arith.constant 0 : i32
    %swap3A_357 = arith.constant 2 : i32
    %swap3A_358 = arith.constant 2 : i32
    %swap3A_359 = arith.index_cast %swap3A_356 : i32 to index
    %swap3A_360 = arith.index_cast %swap3A_357 : i32 to index
    %swap3A_361 = arith.index_cast %swap3A_358 : i32 to index
    %swap3A_362 = memref.load %arg6[%swap3A_359, %swap3A_360, %swap3A_361] : memref<2x4x10xf32, #tpu.memory_space<smem>>
    memref.store %mul3A_355, %arg6[%swap3A_359, %swap3A_360, %swap3A_361] : memref<2x4x10xf32, #tpu.memory_space<smem>>
    %get3A_363 = arith.constant 0 : i32
    %get3A_364 = arith.constant 2 : i32
    %get3A_365 = arith.constant 3 : i32
    %get3A_366 = arith.index_cast %get3A_363 : i32 to index
    %get3A_367 = arith.index_cast %get3A_364 : i32 to index
    %get3A_368 = arith.index_cast %get3A_365 : i32 to index
    %get3A_369 = memref.load %arg5[%get3A_366, %get3A_367, %get3A_368] : memref<2x4x10xf32, #tpu.memory_space<smem>>
    %mul3A_370 = arith.mulf %get3A_317, %get3A_369 : f32
    %swap3A_371 = arith.constant 0 : i32
    %swap3A_372 = arith.constant 2 : i32
    %swap3A_373 = arith.constant 3 : i32
    %swap3A_374 = arith.index_cast %swap3A_371 : i32 to index
    %swap3A_375 = arith.index_cast %swap3A_372 : i32 to index
    %swap3A_376 = arith.index_cast %swap3A_373 : i32 to index
    %swap3A_377 = memref.load %arg6[%swap3A_374, %swap3A_375, %swap3A_376] : memref<2x4x10xf32, #tpu.memory_space<smem>>
    memref.store %mul3A_370, %arg6[%swap3A_374, %swap3A_375, %swap3A_376] : memref<2x4x10xf32, #tpu.memory_space<smem>>
    %get3A_378 = arith.constant 0 : i32
    %get3A_379 = arith.constant 2 : i32
    %get3A_380 = arith.constant 4 : i32
    %get3A_381 = arith.index_cast %get3A_378 : i32 to index
    %get3A_382 = arith.index_cast %get3A_379 : i32 to index
    %get3A_383 = arith.index_cast %get3A_380 : i32 to index
    %get3A_384 = memref.load %arg5[%get3A_381, %get3A_382, %get3A_383] : memref<2x4x10xf32, #tpu.memory_space<smem>>
    %mul3A_385 = arith.mulf %get3A_317, %get3A_384 : f32
    %swap3A_386 = arith.constant 0 : i32
    %swap3A_387 = arith.constant 2 : i32
    %swap3A_388 = arith.constant 4 : i32
    %swap3A_389 = arith.index_cast %swap3A_386 : i32 to index
    %swap3A_390 = arith.index_cast %swap3A_387 : i32 to index
    %swap3A_391 = arith.index_cast %swap3A_388 : i32 to index
    %swap3A_392 = memref.load %arg6[%swap3A_389, %swap3A_390, %swap3A_391] : memref<2x4x10xf32, #tpu.memory_space<smem>>
    memref.store %mul3A_385, %arg6[%swap3A_389, %swap3A_390, %swap3A_391] : memref<2x4x10xf32, #tpu.memory_space<smem>>
    %get3A_393 = arith.constant 0 : i32
    %get3A_394 = arith.constant 2 : i32
    %get3A_395 = arith.constant 5 : i32
    %get3A_396 = arith.index_cast %get3A_393 : i32 to index
    %get3A_397 = arith.index_cast %get3A_394 : i32 to index
    %get3A_398 = arith.index_cast %get3A_395 : i32 to index
    %get3A_399 = memref.load %arg5[%get3A_396, %get3A_397, %get3A_398] : memref<2x4x10xf32, #tpu.memory_space<smem>>
    %mul3A_400 = arith.mulf %get3A_317, %get3A_399 : f32
    %swap3A_401 = arith.constant 0 : i32
    %swap3A_402 = arith.constant 2 : i32
    %swap3A_403 = arith.constant 5 : i32
    %swap3A_404 = arith.index_cast %swap3A_401 : i32 to index
    %swap3A_405 = arith.index_cast %swap3A_402 : i32 to index
    %swap3A_406 = arith.index_cast %swap3A_403 : i32 to index
    %swap3A_407 = memref.load %arg6[%swap3A_404, %swap3A_405, %swap3A_406] : memref<2x4x10xf32, #tpu.memory_space<smem>>
    memref.store %mul3A_400, %arg6[%swap3A_404, %swap3A_405, %swap3A_406] : memref<2x4x10xf32, #tpu.memory_space<smem>>
    %get3A_408 = arith.constant 0 : i32
    %get3A_409 = arith.constant 2 : i32
    %get3A_410 = arith.constant 6 : i32
    %get3A_411 = arith.index_cast %get3A_408 : i32 to index
    %get3A_412 = arith.index_cast %get3A_409 : i32 to index
    %get3A_413 = arith.index_cast %get3A_410 : i32 to index
    %get3A_414 = memref.load %arg5[%get3A_411, %get3A_412, %get3A_413] : memref<2x4x10xf32, #tpu.memory_space<smem>>
    %mul3A_415 = arith.mulf %get3A_317, %get3A_414 : f32
    %swap3A_416 = arith.constant 0 : i32
    %swap3A_417 = arith.constant 2 : i32
    %swap3A_418 = arith.constant 6 : i32
    %swap3A_419 = arith.index_cast %swap3A_416 : i32 to index
    %swap3A_420 = arith.index_cast %swap3A_417 : i32 to index
    %swap3A_421 = arith.index_cast %swap3A_418 : i32 to index
    %swap3A_422 = memref.load %arg6[%swap3A_419, %swap3A_420, %swap3A_421] : memref<2x4x10xf32, #tpu.memory_space<smem>>
    memref.store %mul3A_415, %arg6[%swap3A_419, %swap3A_420, %swap3A_421] : memref<2x4x10xf32, #tpu.memory_space<smem>>
    %get3A_423 = arith.constant 0 : i32
    %get3A_424 = arith.constant 2 : i32
    %get3A_425 = arith.constant 7 : i32
    %get3A_426 = arith.index_cast %get3A_423 : i32 to index
    %get3A_427 = arith.index_cast %get3A_424 : i32 to index
    %get3A_428 = arith.index_cast %get3A_425 : i32 to index
    %get3A_429 = memref.load %arg5[%get3A_426, %get3A_427, %get3A_428] : memref<2x4x10xf32, #tpu.memory_space<smem>>
    %mul3A_430 = arith.mulf %get3A_317, %get3A_429 : f32
    %swap3A_431 = arith.constant 0 : i32
    %swap3A_432 = arith.constant 2 : i32
    %swap3A_433 = arith.constant 7 : i32
    %swap3A_434 = arith.index_cast %swap3A_431 : i32 to index
    %swap3A_435 = arith.index_cast %swap3A_432 : i32 to index
    %swap3A_436 = arith.index_cast %swap3A_433 : i32 to index
    %swap3A_437 = memref.load %arg6[%swap3A_434, %swap3A_435, %swap3A_436] : memref<2x4x10xf32, #tpu.memory_space<smem>>
    memref.store %mul3A_430, %arg6[%swap3A_434, %swap3A_435, %swap3A_436] : memref<2x4x10xf32, #tpu.memory_space<smem>>
    %get3A_438 = arith.constant 0 : i32
    %get3A_439 = arith.constant 2 : i32
    %get3A_440 = arith.constant 8 : i32
    %get3A_441 = arith.index_cast %get3A_438 : i32 to index
    %get3A_442 = arith.index_cast %get3A_439 : i32 to index
    %get3A_443 = arith.index_cast %get3A_440 : i32 to index
    %get3A_444 = memref.load %arg5[%get3A_441, %get3A_442, %get3A_443] : memref<2x4x10xf32, #tpu.memory_space<smem>>
    %mul3A_445 = arith.mulf %get3A_317, %get3A_444 : f32
    %swap3A_446 = arith.constant 0 : i32
    %swap3A_447 = arith.constant 2 : i32
    %swap3A_448 = arith.constant 8 : i32
    %swap3A_449 = arith.index_cast %swap3A_446 : i32 to index
    %swap3A_450 = arith.index_cast %swap3A_447 : i32 to index
    %swap3A_451 = arith.index_cast %swap3A_448 : i32 to index
    %swap3A_452 = memref.load %arg6[%swap3A_449, %swap3A_450, %swap3A_451] : memref<2x4x10xf32, #tpu.memory_space<smem>>
    memref.store %mul3A_445, %arg6[%swap3A_449, %swap3A_450, %swap3A_451] : memref<2x4x10xf32, #tpu.memory_space<smem>>
    %get3A_453 = arith.constant 0 : i32
    %get3A_454 = arith.constant 2 : i32
    %get3A_455 = arith.constant 9 : i32
    %get3A_456 = arith.index_cast %get3A_453 : i32 to index
    %get3A_457 = arith.index_cast %get3A_454 : i32 to index
    %get3A_458 = arith.index_cast %get3A_455 : i32 to index
    %get3A_459 = memref.load %arg5[%get3A_456, %get3A_457, %get3A_458] : memref<2x4x10xf32, #tpu.memory_space<smem>>
    %mul3A_460 = arith.mulf %get3A_317, %get3A_459 : f32
    %swap3A_461 = arith.constant 0 : i32
    %swap3A_462 = arith.constant 2 : i32
    %swap3A_463 = arith.constant 9 : i32
    %swap3A_464 = arith.index_cast %swap3A_461 : i32 to index
    %swap3A_465 = arith.index_cast %swap3A_462 : i32 to index
    %swap3A_466 = arith.index_cast %swap3A_463 : i32 to index
    %swap3A_467 = memref.load %arg6[%swap3A_464, %swap3A_465, %swap3A_466] : memref<2x4x10xf32, #tpu.memory_space<smem>>
    memref.store %mul3A_460, %arg6[%swap3A_464, %swap3A_465, %swap3A_466] : memref<2x4x10xf32, #tpu.memory_space<smem>>
    %get3A_468 = arith.constant 0 : i32
    %get3A_469 = arith.constant 3 : i32
    %get3A_470 = arith.constant 0 : i32
    %get3A_471 = arith.index_cast %get3A_468 : i32 to index
    %get3A_472 = arith.index_cast %get3A_469 : i32 to index
    %get3A_473 = arith.index_cast %get3A_470 : i32 to index
    %get3A_474 = memref.load %arg4[%get3A_471, %get3A_472, %get3A_473] : memref<2x4x1xf32, #tpu.memory_space<smem>>
    %get3A_475 = arith.constant 0 : i32
    %get3A_476 = arith.constant 3 : i32
    %get3A_477 = arith.constant 0 : i32
    %get3A_478 = arith.index_cast %get3A_475 : i32 to index
    %get3A_479 = arith.index_cast %get3A_476 : i32 to index
    %get3A_480 = arith.index_cast %get3A_477 : i32 to index
    %get3A_481 = memref.load %arg5[%get3A_478, %get3A_479, %get3A_480] : memref<2x4x10xf32, #tpu.memory_space<smem>>
    %mul3A_482 = arith.mulf %get3A_474, %get3A_481 : f32
    %swap3A_483 = arith.constant 0 : i32
    %swap3A_484 = arith.constant 3 : i32
    %swap3A_485 = arith.constant 0 : i32
    %swap3A_486 = arith.index_cast %swap3A_483 : i32 to index
    %swap3A_487 = arith.index_cast %swap3A_484 : i32 to index
    %swap3A_488 = arith.index_cast %swap3A_485 : i32 to index
    %swap3A_489 = memref.load %arg6[%swap3A_486, %swap3A_487, %swap3A_488] : memref<2x4x10xf32, #tpu.memory_space<smem>>
    memref.store %mul3A_482, %arg6[%swap3A_486, %swap3A_487, %swap3A_488] : memref<2x4x10xf32, #tpu.memory_space<smem>>
    %get3A_490 = arith.constant 0 : i32
    %get3A_491 = arith.constant 3 : i32
    %get3A_492 = arith.constant 1 : i32
    %get3A_493 = arith.index_cast %get3A_490 : i32 to index
    %get3A_494 = arith.index_cast %get3A_491 : i32 to index
    %get3A_495 = arith.index_cast %get3A_492 : i32 to index
    %get3A_496 = memref.load %arg5[%get3A_493, %get3A_494, %get3A_495] : memref<2x4x10xf32, #tpu.memory_space<smem>>
    %mul3A_497 = arith.mulf %get3A_474, %get3A_496 : f32
    %swap3A_498 = arith.constant 0 : i32
    %swap3A_499 = arith.constant 3 : i32
    %swap3A_500 = arith.constant 1 : i32
    %swap3A_501 = arith.index_cast %swap3A_498 : i32 to index
    %swap3A_502 = arith.index_cast %swap3A_499 : i32 to index
    %swap3A_503 = arith.index_cast %swap3A_500 : i32 to index
    %swap3A_504 = memref.load %arg6[%swap3A_501, %swap3A_502, %swap3A_503] : memref<2x4x10xf32, #tpu.memory_space<smem>>
    memref.store %mul3A_497, %arg6[%swap3A_501, %swap3A_502, %swap3A_503] : memref<2x4x10xf32, #tpu.memory_space<smem>>
    %get3A_505 = arith.constant 0 : i32
    %get3A_506 = arith.constant 3 : i32
    %get3A_507 = arith.constant 2 : i32
    %get3A_508 = arith.index_cast %get3A_505 : i32 to index
    %get3A_509 = arith.index_cast %get3A_506 : i32 to index
    %get3A_510 = arith.index_cast %get3A_507 : i32 to index
    %get3A_511 = memref.load %arg5[%get3A_508, %get3A_509, %get3A_510] : memref<2x4x10xf32, #tpu.memory_space<smem>>
    %mul3A_512 = arith.mulf %get3A_474, %get3A_511 : f32
    %swap3A_513 = arith.constant 0 : i32
    %swap3A_514 = arith.constant 3 : i32
    %swap3A_515 = arith.constant 2 : i32
    %swap3A_516 = arith.index_cast %swap3A_513 : i32 to index
    %swap3A_517 = arith.index_cast %swap3A_514 : i32 to index
    %swap3A_518 = arith.index_cast %swap3A_515 : i32 to index
    %swap3A_519 = memref.load %arg6[%swap3A_516, %swap3A_517, %swap3A_518] : memref<2x4x10xf32, #tpu.memory_space<smem>>
    memref.store %mul3A_512, %arg6[%swap3A_516, %swap3A_517, %swap3A_518] : memref<2x4x10xf32, #tpu.memory_space<smem>>
    %get3A_520 = arith.constant 0 : i32
    %get3A_521 = arith.constant 3 : i32
    %get3A_522 = arith.constant 3 : i32
    %get3A_523 = arith.index_cast %get3A_520 : i32 to index
    %get3A_524 = arith.index_cast %get3A_521 : i32 to index
    %get3A_525 = arith.index_cast %get3A_522 : i32 to index
    %get3A_526 = memref.load %arg5[%get3A_523, %get3A_524, %get3A_525] : memref<2x4x10xf32, #tpu.memory_space<smem>>
    %mul3A_527 = arith.mulf %get3A_474, %get3A_526 : f32
    %swap3A_528 = arith.constant 0 : i32
    %swap3A_529 = arith.constant 3 : i32
    %swap3A_530 = arith.constant 3 : i32
    %swap3A_531 = arith.index_cast %swap3A_528 : i32 to index
    %swap3A_532 = arith.index_cast %swap3A_529 : i32 to index
    %swap3A_533 = arith.index_cast %swap3A_530 : i32 to index
    %swap3A_534 = memref.load %arg6[%swap3A_531, %swap3A_532, %swap3A_533] : memref<2x4x10xf32, #tpu.memory_space<smem>>
    memref.store %mul3A_527, %arg6[%swap3A_531, %swap3A_532, %swap3A_533] : memref<2x4x10xf32, #tpu.memory_space<smem>>
    %get3A_535 = arith.constant 0 : i32
    %get3A_536 = arith.constant 3 : i32
    %get3A_537 = arith.constant 4 : i32
    %get3A_538 = arith.index_cast %get3A_535 : i32 to index
    %get3A_539 = arith.index_cast %get3A_536 : i32 to index
    %get3A_540 = arith.index_cast %get3A_537 : i32 to index
    %get3A_541 = memref.load %arg5[%get3A_538, %get3A_539, %get3A_540] : memref<2x4x10xf32, #tpu.memory_space<smem>>
    %mul3A_542 = arith.mulf %get3A_474, %get3A_541 : f32
    %swap3A_543 = arith.constant 0 : i32
    %swap3A_544 = arith.constant 3 : i32
    %swap3A_545 = arith.constant 4 : i32
    %swap3A_546 = arith.index_cast %swap3A_543 : i32 to index
    %swap3A_547 = arith.index_cast %swap3A_544 : i32 to index
    %swap3A_548 = arith.index_cast %swap3A_545 : i32 to index
    %swap3A_549 = memref.load %arg6[%swap3A_546, %swap3A_547, %swap3A_548] : memref<2x4x10xf32, #tpu.memory_space<smem>>
    memref.store %mul3A_542, %arg6[%swap3A_546, %swap3A_547, %swap3A_548] : memref<2x4x10xf32, #tpu.memory_space<smem>>
    %get3A_550 = arith.constant 0 : i32
    %get3A_551 = arith.constant 3 : i32
    %get3A_552 = arith.constant 5 : i32
    %get3A_553 = arith.index_cast %get3A_550 : i32 to index
    %get3A_554 = arith.index_cast %get3A_551 : i32 to index
    %get3A_555 = arith.index_cast %get3A_552 : i32 to index
    %get3A_556 = memref.load %arg5[%get3A_553, %get3A_554, %get3A_555] : memref<2x4x10xf32, #tpu.memory_space<smem>>
    %mul3A_557 = arith.mulf %get3A_474, %get3A_556 : f32
    %swap3A_558 = arith.constant 0 : i32
    %swap3A_559 = arith.constant 3 : i32
    %swap3A_560 = arith.constant 5 : i32
    %swap3A_561 = arith.index_cast %swap3A_558 : i32 to index
    %swap3A_562 = arith.index_cast %swap3A_559 : i32 to index
    %swap3A_563 = arith.index_cast %swap3A_560 : i32 to index
    %swap3A_564 = memref.load %arg6[%swap3A_561, %swap3A_562, %swap3A_563] : memref<2x4x10xf32, #tpu.memory_space<smem>>
    memref.store %mul3A_557, %arg6[%swap3A_561, %swap3A_562, %swap3A_563] : memref<2x4x10xf32, #tpu.memory_space<smem>>
    %get3A_565 = arith.constant 0 : i32
    %get3A_566 = arith.constant 3 : i32
    %get3A_567 = arith.constant 6 : i32
    %get3A_568 = arith.index_cast %get3A_565 : i32 to index
    %get3A_569 = arith.index_cast %get3A_566 : i32 to index
    %get3A_570 = arith.index_cast %get3A_567 : i32 to index
    %get3A_571 = memref.load %arg5[%get3A_568, %get3A_569, %get3A_570] : memref<2x4x10xf32, #tpu.memory_space<smem>>
    %mul3A_572 = arith.mulf %get3A_474, %get3A_571 : f32
    %swap3A_573 = arith.constant 0 : i32
    %swap3A_574 = arith.constant 3 : i32
    %swap3A_575 = arith.constant 6 : i32
    %swap3A_576 = arith.index_cast %swap3A_573 : i32 to index
    %swap3A_577 = arith.index_cast %swap3A_574 : i32 to index
    %swap3A_578 = arith.index_cast %swap3A_575 : i32 to index
    %swap3A_579 = memref.load %arg6[%swap3A_576, %swap3A_577, %swap3A_578] : memref<2x4x10xf32, #tpu.memory_space<smem>>
    memref.store %mul3A_572, %arg6[%swap3A_576, %swap3A_577, %swap3A_578] : memref<2x4x10xf32, #tpu.memory_space<smem>>
    %get3A_580 = arith.constant 0 : i32
    %get3A_581 = arith.constant 3 : i32
    %get3A_582 = arith.constant 7 : i32
    %get3A_583 = arith.index_cast %get3A_580 : i32 to index
    %get3A_584 = arith.index_cast %get3A_581 : i32 to index
    %get3A_585 = arith.index_cast %get3A_582 : i32 to index
    %get3A_586 = memref.load %arg5[%get3A_583, %get3A_584, %get3A_585] : memref<2x4x10xf32, #tpu.memory_space<smem>>
    %mul3A_587 = arith.mulf %get3A_474, %get3A_586 : f32
    %swap3A_588 = arith.constant 0 : i32
    %swap3A_589 = arith.constant 3 : i32
    %swap3A_590 = arith.constant 7 : i32
    %swap3A_591 = arith.index_cast %swap3A_588 : i32 to index
    %swap3A_592 = arith.index_cast %swap3A_589 : i32 to index
    %swap3A_593 = arith.index_cast %swap3A_590 : i32 to index
    %swap3A_594 = memref.load %arg6[%swap3A_591, %swap3A_592, %swap3A_593] : memref<2x4x10xf32, #tpu.memory_space<smem>>
    memref.store %mul3A_587, %arg6[%swap3A_591, %swap3A_592, %swap3A_593] : memref<2x4x10xf32, #tpu.memory_space<smem>>
    %get3A_595 = arith.constant 0 : i32
    %get3A_596 = arith.constant 3 : i32
    %get3A_597 = arith.constant 8 : i32
    %get3A_598 = arith.index_cast %get3A_595 : i32 to index
    %get3A_599 = arith.index_cast %get3A_596 : i32 to index
    %get3A_600 = arith.index_cast %get3A_597 : i32 to index
    %get3A_601 = memref.load %arg5[%get3A_598, %get3A_599, %get3A_600] : memref<2x4x10xf32, #tpu.memory_space<smem>>
    %mul3A_602 = arith.mulf %get3A_474, %get3A_601 : f32
    %swap3A_603 = arith.constant 0 : i32
    %swap3A_604 = arith.constant 3 : i32
    %swap3A_605 = arith.constant 8 : i32
    %swap3A_606 = arith.index_cast %swap3A_603 : i32 to index
    %swap3A_607 = arith.index_cast %swap3A_604 : i32 to index
    %swap3A_608 = arith.index_cast %swap3A_605 : i32 to index
    %swap3A_609 = memref.load %arg6[%swap3A_606, %swap3A_607, %swap3A_608] : memref<2x4x10xf32, #tpu.memory_space<smem>>
    memref.store %mul3A_602, %arg6[%swap3A_606, %swap3A_607, %swap3A_608] : memref<2x4x10xf32, #tpu.memory_space<smem>>
    %get3A_610 = arith.constant 0 : i32
    %get3A_611 = arith.constant 3 : i32
    %get3A_612 = arith.constant 9 : i32
    %get3A_613 = arith.index_cast %get3A_610 : i32 to index
    %get3A_614 = arith.index_cast %get3A_611 : i32 to index
    %get3A_615 = arith.index_cast %get3A_612 : i32 to index
    %get3A_616 = memref.load %arg5[%get3A_613, %get3A_614, %get3A_615] : memref<2x4x10xf32, #tpu.memory_space<smem>>
    %mul3A_617 = arith.mulf %get3A_474, %get3A_616 : f32
    %swap3A_618 = arith.constant 0 : i32
    %swap3A_619 = arith.constant 3 : i32
    %swap3A_620 = arith.constant 9 : i32
    %swap3A_621 = arith.index_cast %swap3A_618 : i32 to index
    %swap3A_622 = arith.index_cast %swap3A_619 : i32 to index
    %swap3A_623 = arith.index_cast %swap3A_620 : i32 to index
    %swap3A_624 = memref.load %arg6[%swap3A_621, %swap3A_622, %swap3A_623] : memref<2x4x10xf32, #tpu.memory_space<smem>>
    memref.store %mul3A_617, %arg6[%swap3A_621, %swap3A_622, %swap3A_623] : memref<2x4x10xf32, #tpu.memory_space<smem>>
    %get3A_625 = arith.constant 1 : i32
    %get3A_626 = arith.constant 0 : i32
    %get3A_627 = arith.constant 0 : i32
    %get3A_628 = arith.index_cast %get3A_625 : i32 to index
    %get3A_629 = arith.index_cast %get3A_626 : i32 to index
    %get3A_630 = arith.index_cast %get3A_627 : i32 to index
    %get3A_631 = memref.load %arg4[%get3A_628, %get3A_629, %get3A_630] : memref<2x4x1xf32, #tpu.memory_space<smem>>
    %get3A_632 = arith.constant 1 : i32
    %get3A_633 = arith.constant 0 : i32
    %get3A_634 = arith.constant 0 : i32
    %get3A_635 = arith.index_cast %get3A_632 : i32 to index
    %get3A_636 = arith.index_cast %get3A_633 : i32 to index
    %get3A_637 = arith.index_cast %get3A_634 : i32 to index
    %get3A_638 = memref.load %arg5[%get3A_635, %get3A_636, %get3A_637] : memref<2x4x10xf32, #tpu.memory_space<smem>>
    %mul3A_639 = arith.mulf %get3A_631, %get3A_638 : f32
    %swap3A_640 = arith.constant 1 : i32
    %swap3A_641 = arith.constant 0 : i32
    %swap3A_642 = arith.constant 0 : i32
    %swap3A_643 = arith.index_cast %swap3A_640 : i32 to index
    %swap3A_644 = arith.index_cast %swap3A_641 : i32 to index
    %swap3A_645 = arith.index_cast %swap3A_642 : i32 to index
    %swap3A_646 = memref.load %arg6[%swap3A_643, %swap3A_644, %swap3A_645] : memref<2x4x10xf32, #tpu.memory_space<smem>>
    memref.store %mul3A_639, %arg6[%swap3A_643, %swap3A_644, %swap3A_645] : memref<2x4x10xf32, #tpu.memory_space<smem>>
    %get3A_647 = arith.constant 1 : i32
    %get3A_648 = arith.constant 0 : i32
    %get3A_649 = arith.constant 1 : i32
    %get3A_650 = arith.index_cast %get3A_647 : i32 to index
    %get3A_651 = arith.index_cast %get3A_648 : i32 to index
    %get3A_652 = arith.index_cast %get3A_649 : i32 to index
    %get3A_653 = memref.load %arg5[%get3A_650, %get3A_651, %get3A_652] : memref<2x4x10xf32, #tpu.memory_space<smem>>
    %mul3A_654 = arith.mulf %get3A_631, %get3A_653 : f32
    %swap3A_655 = arith.constant 1 : i32
    %swap3A_656 = arith.constant 0 : i32
    %swap3A_657 = arith.constant 1 : i32
    %swap3A_658 = arith.index_cast %swap3A_655 : i32 to index
    %swap3A_659 = arith.index_cast %swap3A_656 : i32 to index
    %swap3A_660 = arith.index_cast %swap3A_657 : i32 to index
    %swap3A_661 = memref.load %arg6[%swap3A_658, %swap3A_659, %swap3A_660] : memref<2x4x10xf32, #tpu.memory_space<smem>>
    memref.store %mul3A_654, %arg6[%swap3A_658, %swap3A_659, %swap3A_660] : memref<2x4x10xf32, #tpu.memory_space<smem>>
    %get3A_662 = arith.constant 1 : i32
    %get3A_663 = arith.constant 0 : i32
    %get3A_664 = arith.constant 2 : i32
    %get3A_665 = arith.index_cast %get3A_662 : i32 to index
    %get3A_666 = arith.index_cast %get3A_663 : i32 to index
    %get3A_667 = arith.index_cast %get3A_664 : i32 to index
    %get3A_668 = memref.load %arg5[%get3A_665, %get3A_666, %get3A_667] : memref<2x4x10xf32, #tpu.memory_space<smem>>
    %mul3A_669 = arith.mulf %get3A_631, %get3A_668 : f32
    %swap3A_670 = arith.constant 1 : i32
    %swap3A_671 = arith.constant 0 : i32
    %swap3A_672 = arith.constant 2 : i32
    %swap3A_673 = arith.index_cast %swap3A_670 : i32 to index
    %swap3A_674 = arith.index_cast %swap3A_671 : i32 to index
    %swap3A_675 = arith.index_cast %swap3A_672 : i32 to index
    %swap3A_676 = memref.load %arg6[%swap3A_673, %swap3A_674, %swap3A_675] : memref<2x4x10xf32, #tpu.memory_space<smem>>
    memref.store %mul3A_669, %arg6[%swap3A_673, %swap3A_674, %swap3A_675] : memref<2x4x10xf32, #tpu.memory_space<smem>>
    %get3A_677 = arith.constant 1 : i32
    %get3A_678 = arith.constant 0 : i32
    %get3A_679 = arith.constant 3 : i32
    %get3A_680 = arith.index_cast %get3A_677 : i32 to index
    %get3A_681 = arith.index_cast %get3A_678 : i32 to index
    %get3A_682 = arith.index_cast %get3A_679 : i32 to index
    %get3A_683 = memref.load %arg5[%get3A_680, %get3A_681, %get3A_682] : memref<2x4x10xf32, #tpu.memory_space<smem>>
    %mul3A_684 = arith.mulf %get3A_631, %get3A_683 : f32
    %swap3A_685 = arith.constant 1 : i32
    %swap3A_686 = arith.constant 0 : i32
    %swap3A_687 = arith.constant 3 : i32
    %swap3A_688 = arith.index_cast %swap3A_685 : i32 to index
    %swap3A_689 = arith.index_cast %swap3A_686 : i32 to index
    %swap3A_690 = arith.index_cast %swap3A_687 : i32 to index
    %swap3A_691 = memref.load %arg6[%swap3A_688, %swap3A_689, %swap3A_690] : memref<2x4x10xf32, #tpu.memory_space<smem>>
    memref.store %mul3A_684, %arg6[%swap3A_688, %swap3A_689, %swap3A_690] : memref<2x4x10xf32, #tpu.memory_space<smem>>
    %get3A_692 = arith.constant 1 : i32
    %get3A_693 = arith.constant 0 : i32
    %get3A_694 = arith.constant 4 : i32
    %get3A_695 = arith.index_cast %get3A_692 : i32 to index
    %get3A_696 = arith.index_cast %get3A_693 : i32 to index
    %get3A_697 = arith.index_cast %get3A_694 : i32 to index
    %get3A_698 = memref.load %arg5[%get3A_695, %get3A_696, %get3A_697] : memref<2x4x10xf32, #tpu.memory_space<smem>>
    %mul3A_699 = arith.mulf %get3A_631, %get3A_698 : f32
    %swap3A_700 = arith.constant 1 : i32
    %swap3A_701 = arith.constant 0 : i32
    %swap3A_702 = arith.constant 4 : i32
    %swap3A_703 = arith.index_cast %swap3A_700 : i32 to index
    %swap3A_704 = arith.index_cast %swap3A_701 : i32 to index
    %swap3A_705 = arith.index_cast %swap3A_702 : i32 to index
    %swap3A_706 = memref.load %arg6[%swap3A_703, %swap3A_704, %swap3A_705] : memref<2x4x10xf32, #tpu.memory_space<smem>>
    memref.store %mul3A_699, %arg6[%swap3A_703, %swap3A_704, %swap3A_705] : memref<2x4x10xf32, #tpu.memory_space<smem>>
    %get3A_707 = arith.constant 1 : i32
    %get3A_708 = arith.constant 0 : i32
    %get3A_709 = arith.constant 5 : i32
    %get3A_710 = arith.index_cast %get3A_707 : i32 to index
    %get3A_711 = arith.index_cast %get3A_708 : i32 to index
    %get3A_712 = arith.index_cast %get3A_709 : i32 to index
    %get3A_713 = memref.load %arg5[%get3A_710, %get3A_711, %get3A_712] : memref<2x4x10xf32, #tpu.memory_space<smem>>
    %mul3A_714 = arith.mulf %get3A_631, %get3A_713 : f32
    %swap3A_715 = arith.constant 1 : i32
    %swap3A_716 = arith.constant 0 : i32
    %swap3A_717 = arith.constant 5 : i32
    %swap3A_718 = arith.index_cast %swap3A_715 : i32 to index
    %swap3A_719 = arith.index_cast %swap3A_716 : i32 to index
    %swap3A_720 = arith.index_cast %swap3A_717 : i32 to index
    %swap3A_721 = memref.load %arg6[%swap3A_718, %swap3A_719, %swap3A_720] : memref<2x4x10xf32, #tpu.memory_space<smem>>
    memref.store %mul3A_714, %arg6[%swap3A_718, %swap3A_719, %swap3A_720] : memref<2x4x10xf32, #tpu.memory_space<smem>>
    %get3A_722 = arith.constant 1 : i32
    %get3A_723 = arith.constant 0 : i32
    %get3A_724 = arith.constant 6 : i32
    %get3A_725 = arith.index_cast %get3A_722 : i32 to index
    %get3A_726 = arith.index_cast %get3A_723 : i32 to index
    %get3A_727 = arith.index_cast %get3A_724 : i32 to index
    %get3A_728 = memref.load %arg5[%get3A_725, %get3A_726, %get3A_727] : memref<2x4x10xf32, #tpu.memory_space<smem>>
    %mul3A_729 = arith.mulf %get3A_631, %get3A_728 : f32
    %swap3A_730 = arith.constant 1 : i32
    %swap3A_731 = arith.constant 0 : i32
    %swap3A_732 = arith.constant 6 : i32
    %swap3A_733 = arith.index_cast %swap3A_730 : i32 to index
    %swap3A_734 = arith.index_cast %swap3A_731 : i32 to index
    %swap3A_735 = arith.index_cast %swap3A_732 : i32 to index
    %swap3A_736 = memref.load %arg6[%swap3A_733, %swap3A_734, %swap3A_735] : memref<2x4x10xf32, #tpu.memory_space<smem>>
    memref.store %mul3A_729, %arg6[%swap3A_733, %swap3A_734, %swap3A_735] : memref<2x4x10xf32, #tpu.memory_space<smem>>
    %get3A_737 = arith.constant 1 : i32
    %get3A_738 = arith.constant 0 : i32
    %get3A_739 = arith.constant 7 : i32
    %get3A_740 = arith.index_cast %get3A_737 : i32 to index
    %get3A_741 = arith.index_cast %get3A_738 : i32 to index
    %get3A_742 = arith.index_cast %get3A_739 : i32 to index
    %get3A_743 = memref.load %arg5[%get3A_740, %get3A_741, %get3A_742] : memref<2x4x10xf32, #tpu.memory_space<smem>>
    %mul3A_744 = arith.mulf %get3A_631, %get3A_743 : f32
    %swap3A_745 = arith.constant 1 : i32
    %swap3A_746 = arith.constant 0 : i32
    %swap3A_747 = arith.constant 7 : i32
    %swap3A_748 = arith.index_cast %swap3A_745 : i32 to index
    %swap3A_749 = arith.index_cast %swap3A_746 : i32 to index
    %swap3A_750 = arith.index_cast %swap3A_747 : i32 to index
    %swap3A_751 = memref.load %arg6[%swap3A_748, %swap3A_749, %swap3A_750] : memref<2x4x10xf32, #tpu.memory_space<smem>>
    memref.store %mul3A_744, %arg6[%swap3A_748, %swap3A_749, %swap3A_750] : memref<2x4x10xf32, #tpu.memory_space<smem>>
    %get3A_752 = arith.constant 1 : i32
    %get3A_753 = arith.constant 0 : i32
    %get3A_754 = arith.constant 8 : i32
    %get3A_755 = arith.index_cast %get3A_752 : i32 to index
    %get3A_756 = arith.index_cast %get3A_753 : i32 to index
    %get3A_757 = arith.index_cast %get3A_754 : i32 to index
    %get3A_758 = memref.load %arg5[%get3A_755, %get3A_756, %get3A_757] : memref<2x4x10xf32, #tpu.memory_space<smem>>
    %mul3A_759 = arith.mulf %get3A_631, %get3A_758 : f32
    %swap3A_760 = arith.constant 1 : i32
    %swap3A_761 = arith.constant 0 : i32
    %swap3A_762 = arith.constant 8 : i32
    %swap3A_763 = arith.index_cast %swap3A_760 : i32 to index
    %swap3A_764 = arith.index_cast %swap3A_761 : i32 to index
    %swap3A_765 = arith.index_cast %swap3A_762 : i32 to index
    %swap3A_766 = memref.load %arg6[%swap3A_763, %swap3A_764, %swap3A_765] : memref<2x4x10xf32, #tpu.memory_space<smem>>
    memref.store %mul3A_759, %arg6[%swap3A_763, %swap3A_764, %swap3A_765] : memref<2x4x10xf32, #tpu.memory_space<smem>>
    %get3A_767 = arith.constant 1 : i32
    %get3A_768 = arith.constant 0 : i32
    %get3A_769 = arith.constant 9 : i32
    %get3A_770 = arith.index_cast %get3A_767 : i32 to index
    %get3A_771 = arith.index_cast %get3A_768 : i32 to index
    %get3A_772 = arith.index_cast %get3A_769 : i32 to index
    %get3A_773 = memref.load %arg5[%get3A_770, %get3A_771, %get3A_772] : memref<2x4x10xf32, #tpu.memory_space<smem>>
    %mul3A_774 = arith.mulf %get3A_631, %get3A_773 : f32
    %swap3A_775 = arith.constant 1 : i32
    %swap3A_776 = arith.constant 0 : i32
    %swap3A_777 = arith.constant 9 : i32
    %swap3A_778 = arith.index_cast %swap3A_775 : i32 to index
    %swap3A_779 = arith.index_cast %swap3A_776 : i32 to index
    %swap3A_780 = arith.index_cast %swap3A_777 : i32 to index
    %swap3A_781 = memref.load %arg6[%swap3A_778, %swap3A_779, %swap3A_780] : memref<2x4x10xf32, #tpu.memory_space<smem>>
    memref.store %mul3A_774, %arg6[%swap3A_778, %swap3A_779, %swap3A_780] : memref<2x4x10xf32, #tpu.memory_space<smem>>
    %get3A_782 = arith.constant 1 : i32
    %get3A_783 = arith.constant 1 : i32
    %get3A_784 = arith.constant 0 : i32
    %get3A_785 = arith.index_cast %get3A_782 : i32 to index
    %get3A_786 = arith.index_cast %get3A_783 : i32 to index
    %get3A_787 = arith.index_cast %get3A_784 : i32 to index
    %get3A_788 = memref.load %arg4[%get3A_785, %get3A_786, %get3A_787] : memref<2x4x1xf32, #tpu.memory_space<smem>>
    %get3A_789 = arith.constant 1 : i32
    %get3A_790 = arith.constant 1 : i32
    %get3A_791 = arith.constant 0 : i32
    %get3A_792 = arith.index_cast %get3A_789 : i32 to index
    %get3A_793 = arith.index_cast %get3A_790 : i32 to index
    %get3A_794 = arith.index_cast %get3A_791 : i32 to index
    %get3A_795 = memref.load %arg5[%get3A_792, %get3A_793, %get3A_794] : memref<2x4x10xf32, #tpu.memory_space<smem>>
    %mul3A_796 = arith.mulf %get3A_788, %get3A_795 : f32
    %swap3A_797 = arith.constant 1 : i32
    %swap3A_798 = arith.constant 1 : i32
    %swap3A_799 = arith.constant 0 : i32
    %swap3A_800 = arith.index_cast %swap3A_797 : i32 to index
    %swap3A_801 = arith.index_cast %swap3A_798 : i32 to index
    %swap3A_802 = arith.index_cast %swap3A_799 : i32 to index
    %swap3A_803 = memref.load %arg6[%swap3A_800, %swap3A_801, %swap3A_802] : memref<2x4x10xf32, #tpu.memory_space<smem>>
    memref.store %mul3A_796, %arg6[%swap3A_800, %swap3A_801, %swap3A_802] : memref<2x4x10xf32, #tpu.memory_space<smem>>
    %get3A_804 = arith.constant 1 : i32
    %get3A_805 = arith.constant 1 : i32
    %get3A_806 = arith.constant 1 : i32
    %get3A_807 = arith.index_cast %get3A_804 : i32 to index
    %get3A_808 = arith.index_cast %get3A_805 : i32 to index
    %get3A_809 = arith.index_cast %get3A_806 : i32 to index
    %get3A_810 = memref.load %arg5[%get3A_807, %get3A_808, %get3A_809] : memref<2x4x10xf32, #tpu.memory_space<smem>>
    %mul3A_811 = arith.mulf %get3A_788, %get3A_810 : f32
    %swap3A_812 = arith.constant 1 : i32
    %swap3A_813 = arith.constant 1 : i32
    %swap3A_814 = arith.constant 1 : i32
    %swap3A_815 = arith.index_cast %swap3A_812 : i32 to index
    %swap3A_816 = arith.index_cast %swap3A_813 : i32 to index
    %swap3A_817 = arith.index_cast %swap3A_814 : i32 to index
    %swap3A_818 = memref.load %arg6[%swap3A_815, %swap3A_816, %swap3A_817] : memref<2x4x10xf32, #tpu.memory_space<smem>>
    memref.store %mul3A_811, %arg6[%swap3A_815, %swap3A_816, %swap3A_817] : memref<2x4x10xf32, #tpu.memory_space<smem>>
    %get3A_819 = arith.constant 1 : i32
    %get3A_820 = arith.constant 1 : i32
    %get3A_821 = arith.constant 2 : i32
    %get3A_822 = arith.index_cast %get3A_819 : i32 to index
    %get3A_823 = arith.index_cast %get3A_820 : i32 to index
    %get3A_824 = arith.index_cast %get3A_821 : i32 to index
    %get3A_825 = memref.load %arg5[%get3A_822, %get3A_823, %get3A_824] : memref<2x4x10xf32, #tpu.memory_space<smem>>
    %mul3A_826 = arith.mulf %get3A_788, %get3A_825 : f32
    %swap3A_827 = arith.constant 1 : i32
    %swap3A_828 = arith.constant 1 : i32
    %swap3A_829 = arith.constant 2 : i32
    %swap3A_830 = arith.index_cast %swap3A_827 : i32 to index
    %swap3A_831 = arith.index_cast %swap3A_828 : i32 to index
    %swap3A_832 = arith.index_cast %swap3A_829 : i32 to index
    %swap3A_833 = memref.load %arg6[%swap3A_830, %swap3A_831, %swap3A_832] : memref<2x4x10xf32, #tpu.memory_space<smem>>
    memref.store %mul3A_826, %arg6[%swap3A_830, %swap3A_831, %swap3A_832] : memref<2x4x10xf32, #tpu.memory_space<smem>>
    %get3A_834 = arith.constant 1 : i32
    %get3A_835 = arith.constant 1 : i32
    %get3A_836 = arith.constant 3 : i32
    %get3A_837 = arith.index_cast %get3A_834 : i32 to index
    %get3A_838 = arith.index_cast %get3A_835 : i32 to index
    %get3A_839 = arith.index_cast %get3A_836 : i32 to index
    %get3A_840 = memref.load %arg5[%get3A_837, %get3A_838, %get3A_839] : memref<2x4x10xf32, #tpu.memory_space<smem>>
    %mul3A_841 = arith.mulf %get3A_788, %get3A_840 : f32
    %swap3A_842 = arith.constant 1 : i32
    %swap3A_843 = arith.constant 1 : i32
    %swap3A_844 = arith.constant 3 : i32
    %swap3A_845 = arith.index_cast %swap3A_842 : i32 to index
    %swap3A_846 = arith.index_cast %swap3A_843 : i32 to index
    %swap3A_847 = arith.index_cast %swap3A_844 : i32 to index
    %swap3A_848 = memref.load %arg6[%swap3A_845, %swap3A_846, %swap3A_847] : memref<2x4x10xf32, #tpu.memory_space<smem>>
    memref.store %mul3A_841, %arg6[%swap3A_845, %swap3A_846, %swap3A_847] : memref<2x4x10xf32, #tpu.memory_space<smem>>
    %get3A_849 = arith.constant 1 : i32
    %get3A_850 = arith.constant 1 : i32
    %get3A_851 = arith.constant 4 : i32
    %get3A_852 = arith.index_cast %get3A_849 : i32 to index
    %get3A_853 = arith.index_cast %get3A_850 : i32 to index
    %get3A_854 = arith.index_cast %get3A_851 : i32 to index
    %get3A_855 = memref.load %arg5[%get3A_852, %get3A_853, %get3A_854] : memref<2x4x10xf32, #tpu.memory_space<smem>>
    %mul3A_856 = arith.mulf %get3A_788, %get3A_855 : f32
    %swap3A_857 = arith.constant 1 : i32
    %swap3A_858 = arith.constant 1 : i32
    %swap3A_859 = arith.constant 4 : i32
    %swap3A_860 = arith.index_cast %swap3A_857 : i32 to index
    %swap3A_861 = arith.index_cast %swap3A_858 : i32 to index
    %swap3A_862 = arith.index_cast %swap3A_859 : i32 to index
    %swap3A_863 = memref.load %arg6[%swap3A_860, %swap3A_861, %swap3A_862] : memref<2x4x10xf32, #tpu.memory_space<smem>>
    memref.store %mul3A_856, %arg6[%swap3A_860, %swap3A_861, %swap3A_862] : memref<2x4x10xf32, #tpu.memory_space<smem>>
    %get3A_864 = arith.constant 1 : i32
    %get3A_865 = arith.constant 1 : i32
    %get3A_866 = arith.constant 5 : i32
    %get3A_867 = arith.index_cast %get3A_864 : i32 to index
    %get3A_868 = arith.index_cast %get3A_865 : i32 to index
    %get3A_869 = arith.index_cast %get3A_866 : i32 to index
    %get3A_870 = memref.load %arg5[%get3A_867, %get3A_868, %get3A_869] : memref<2x4x10xf32, #tpu.memory_space<smem>>
    %mul3A_871 = arith.mulf %get3A_788, %get3A_870 : f32
    %swap3A_872 = arith.constant 1 : i32
    %swap3A_873 = arith.constant 1 : i32
    %swap3A_874 = arith.constant 5 : i32
    %swap3A_875 = arith.index_cast %swap3A_872 : i32 to index
    %swap3A_876 = arith.index_cast %swap3A_873 : i32 to index
    %swap3A_877 = arith.index_cast %swap3A_874 : i32 to index
    %swap3A_878 = memref.load %arg6[%swap3A_875, %swap3A_876, %swap3A_877] : memref<2x4x10xf32, #tpu.memory_space<smem>>
    memref.store %mul3A_871, %arg6[%swap3A_875, %swap3A_876, %swap3A_877] : memref<2x4x10xf32, #tpu.memory_space<smem>>
    %get3A_879 = arith.constant 1 : i32
    %get3A_880 = arith.constant 1 : i32
    %get3A_881 = arith.constant 6 : i32
    %get3A_882 = arith.index_cast %get3A_879 : i32 to index
    %get3A_883 = arith.index_cast %get3A_880 : i32 to index
    %get3A_884 = arith.index_cast %get3A_881 : i32 to index
    %get3A_885 = memref.load %arg5[%get3A_882, %get3A_883, %get3A_884] : memref<2x4x10xf32, #tpu.memory_space<smem>>
    %mul3A_886 = arith.mulf %get3A_788, %get3A_885 : f32
    %swap3A_887 = arith.constant 1 : i32
    %swap3A_888 = arith.constant 1 : i32
    %swap3A_889 = arith.constant 6 : i32
    %swap3A_890 = arith.index_cast %swap3A_887 : i32 to index
    %swap3A_891 = arith.index_cast %swap3A_888 : i32 to index
    %swap3A_892 = arith.index_cast %swap3A_889 : i32 to index
    %swap3A_893 = memref.load %arg6[%swap3A_890, %swap3A_891, %swap3A_892] : memref<2x4x10xf32, #tpu.memory_space<smem>>
    memref.store %mul3A_886, %arg6[%swap3A_890, %swap3A_891, %swap3A_892] : memref<2x4x10xf32, #tpu.memory_space<smem>>
    %get3A_894 = arith.constant 1 : i32
    %get3A_895 = arith.constant 1 : i32
    %get3A_896 = arith.constant 7 : i32
    %get3A_897 = arith.index_cast %get3A_894 : i32 to index
    %get3A_898 = arith.index_cast %get3A_895 : i32 to index
    %get3A_899 = arith.index_cast %get3A_896 : i32 to index
    %get3A_900 = memref.load %arg5[%get3A_897, %get3A_898, %get3A_899] : memref<2x4x10xf32, #tpu.memory_space<smem>>
    %mul3A_901 = arith.mulf %get3A_788, %get3A_900 : f32
    %swap3A_902 = arith.constant 1 : i32
    %swap3A_903 = arith.constant 1 : i32
    %swap3A_904 = arith.constant 7 : i32
    %swap3A_905 = arith.index_cast %swap3A_902 : i32 to index
    %swap3A_906 = arith.index_cast %swap3A_903 : i32 to index
    %swap3A_907 = arith.index_cast %swap3A_904 : i32 to index
    %swap3A_908 = memref.load %arg6[%swap3A_905, %swap3A_906, %swap3A_907] : memref<2x4x10xf32, #tpu.memory_space<smem>>
    memref.store %mul3A_901, %arg6[%swap3A_905, %swap3A_906, %swap3A_907] : memref<2x4x10xf32, #tpu.memory_space<smem>>
    %get3A_909 = arith.constant 1 : i32
    %get3A_910 = arith.constant 1 : i32
    %get3A_911 = arith.constant 8 : i32
    %get3A_912 = arith.index_cast %get3A_909 : i32 to index
    %get3A_913 = arith.index_cast %get3A_910 : i32 to index
    %get3A_914 = arith.index_cast %get3A_911 : i32 to index
    %get3A_915 = memref.load %arg5[%get3A_912, %get3A_913, %get3A_914] : memref<2x4x10xf32, #tpu.memory_space<smem>>
    %mul3A_916 = arith.mulf %get3A_788, %get3A_915 : f32
    %swap3A_917 = arith.constant 1 : i32
    %swap3A_918 = arith.constant 1 : i32
    %swap3A_919 = arith.constant 8 : i32
    %swap3A_920 = arith.index_cast %swap3A_917 : i32 to index
    %swap3A_921 = arith.index_cast %swap3A_918 : i32 to index
    %swap3A_922 = arith.index_cast %swap3A_919 : i32 to index
    %swap3A_923 = memref.load %arg6[%swap3A_920, %swap3A_921, %swap3A_922] : memref<2x4x10xf32, #tpu.memory_space<smem>>
    memref.store %mul3A_916, %arg6[%swap3A_920, %swap3A_921, %swap3A_922] : memref<2x4x10xf32, #tpu.memory_space<smem>>
    %get3A_924 = arith.constant 1 : i32
    %get3A_925 = arith.constant 1 : i32
    %get3A_926 = arith.constant 9 : i32
    %get3A_927 = arith.index_cast %get3A_924 : i32 to index
    %get3A_928 = arith.index_cast %get3A_925 : i32 to index
    %get3A_929 = arith.index_cast %get3A_926 : i32 to index
    %get3A_930 = memref.load %arg5[%get3A_927, %get3A_928, %get3A_929] : memref<2x4x10xf32, #tpu.memory_space<smem>>
    %mul3A_931 = arith.mulf %get3A_788, %get3A_930 : f32
    %swap3A_932 = arith.constant 1 : i32
    %swap3A_933 = arith.constant 1 : i32
    %swap3A_934 = arith.constant 9 : i32
    %swap3A_935 = arith.index_cast %swap3A_932 : i32 to index
    %swap3A_936 = arith.index_cast %swap3A_933 : i32 to index
    %swap3A_937 = arith.index_cast %swap3A_934 : i32 to index
    %swap3A_938 = memref.load %arg6[%swap3A_935, %swap3A_936, %swap3A_937] : memref<2x4x10xf32, #tpu.memory_space<smem>>
    memref.store %mul3A_931, %arg6[%swap3A_935, %swap3A_936, %swap3A_937] : memref<2x4x10xf32, #tpu.memory_space<smem>>
    %get3A_939 = arith.constant 1 : i32
    %get3A_940 = arith.constant 2 : i32
    %get3A_941 = arith.constant 0 : i32
    %get3A_942 = arith.index_cast %get3A_939 : i32 to index
    %get3A_943 = arith.index_cast %get3A_940 : i32 to index
    %get3A_944 = arith.index_cast %get3A_941 : i32 to index
    %get3A_945 = memref.load %arg4[%get3A_942, %get3A_943, %get3A_944] : memref<2x4x1xf32, #tpu.memory_space<smem>>
    %get3A_946 = arith.constant 1 : i32
    %get3A_947 = arith.constant 2 : i32
    %get3A_948 = arith.constant 0 : i32
    %get3A_949 = arith.index_cast %get3A_946 : i32 to index
    %get3A_950 = arith.index_cast %get3A_947 : i32 to index
    %get3A_951 = arith.index_cast %get3A_948 : i32 to index
    %get3A_952 = memref.load %arg5[%get3A_949, %get3A_950, %get3A_951] : memref<2x4x10xf32, #tpu.memory_space<smem>>
    %mul3A_953 = arith.mulf %get3A_945, %get3A_952 : f32
    %swap3A_954 = arith.constant 1 : i32
    %swap3A_955 = arith.constant 2 : i32
    %swap3A_956 = arith.constant 0 : i32
    %swap3A_957 = arith.index_cast %swap3A_954 : i32 to index
    %swap3A_958 = arith.index_cast %swap3A_955 : i32 to index
    %swap3A_959 = arith.index_cast %swap3A_956 : i32 to index
    %swap3A_960 = memref.load %arg6[%swap3A_957, %swap3A_958, %swap3A_959] : memref<2x4x10xf32, #tpu.memory_space<smem>>
    memref.store %mul3A_953, %arg6[%swap3A_957, %swap3A_958, %swap3A_959] : memref<2x4x10xf32, #tpu.memory_space<smem>>
    %get3A_961 = arith.constant 1 : i32
    %get3A_962 = arith.constant 2 : i32
    %get3A_963 = arith.constant 1 : i32
    %get3A_964 = arith.index_cast %get3A_961 : i32 to index
    %get3A_965 = arith.index_cast %get3A_962 : i32 to index
    %get3A_966 = arith.index_cast %get3A_963 : i32 to index
    %get3A_967 = memref.load %arg5[%get3A_964, %get3A_965, %get3A_966] : memref<2x4x10xf32, #tpu.memory_space<smem>>
    %mul3A_968 = arith.mulf %get3A_945, %get3A_967 : f32
    %swap3A_969 = arith.constant 1 : i32
    %swap3A_970 = arith.constant 2 : i32
    %swap3A_971 = arith.constant 1 : i32
    %swap3A_972 = arith.index_cast %swap3A_969 : i32 to index
    %swap3A_973 = arith.index_cast %swap3A_970 : i32 to index
    %swap3A_974 = arith.index_cast %swap3A_971 : i32 to index
    %swap3A_975 = memref.load %arg6[%swap3A_972, %swap3A_973, %swap3A_974] : memref<2x4x10xf32, #tpu.memory_space<smem>>
    memref.store %mul3A_968, %arg6[%swap3A_972, %swap3A_973, %swap3A_974] : memref<2x4x10xf32, #tpu.memory_space<smem>>
    %get3A_976 = arith.constant 1 : i32
    %get3A_977 = arith.constant 2 : i32
    %get3A_978 = arith.constant 2 : i32
    %get3A_979 = arith.index_cast %get3A_976 : i32 to index
    %get3A_980 = arith.index_cast %get3A_977 : i32 to index
    %get3A_981 = arith.index_cast %get3A_978 : i32 to index
    %get3A_982 = memref.load %arg5[%get3A_979, %get3A_980, %get3A_981] : memref<2x4x10xf32, #tpu.memory_space<smem>>
    %mul3A_983 = arith.mulf %get3A_945, %get3A_982 : f32
    %swap3A_984 = arith.constant 1 : i32
    %swap3A_985 = arith.constant 2 : i32
    %swap3A_986 = arith.constant 2 : i32
    %swap3A_987 = arith.index_cast %swap3A_984 : i32 to index
    %swap3A_988 = arith.index_cast %swap3A_985 : i32 to index
    %swap3A_989 = arith.index_cast %swap3A_986 : i32 to index
    %swap3A_990 = memref.load %arg6[%swap3A_987, %swap3A_988, %swap3A_989] : memref<2x4x10xf32, #tpu.memory_space<smem>>
    memref.store %mul3A_983, %arg6[%swap3A_987, %swap3A_988, %swap3A_989] : memref<2x4x10xf32, #tpu.memory_space<smem>>
    %get3A_991 = arith.constant 1 : i32
    %get3A_992 = arith.constant 2 : i32
    %get3A_993 = arith.constant 3 : i32
    %get3A_994 = arith.index_cast %get3A_991 : i32 to index
    %get3A_995 = arith.index_cast %get3A_992 : i32 to index
    %get3A_996 = arith.index_cast %get3A_993 : i32 to index
    %get3A_997 = memref.load %arg5[%get3A_994, %get3A_995, %get3A_996] : memref<2x4x10xf32, #tpu.memory_space<smem>>
    %mul3A_998 = arith.mulf %get3A_945, %get3A_997 : f32
    %swap3A_999 = arith.constant 1 : i32
    %swap3A_1000 = arith.constant 2 : i32
    %swap3A_1001 = arith.constant 3 : i32
    %swap3A_1002 = arith.index_cast %swap3A_999 : i32 to index
    %swap3A_1003 = arith.index_cast %swap3A_1000 : i32 to index
    %swap3A_1004 = arith.index_cast %swap3A_1001 : i32 to index
    %swap3A_1005 = memref.load %arg6[%swap3A_1002, %swap3A_1003, %swap3A_1004] : memref<2x4x10xf32, #tpu.memory_space<smem>>
    memref.store %mul3A_998, %arg6[%swap3A_1002, %swap3A_1003, %swap3A_1004] : memref<2x4x10xf32, #tpu.memory_space<smem>>
    %get3A_1006 = arith.constant 1 : i32
    %get3A_1007 = arith.constant 2 : i32
    %get3A_1008 = arith.constant 4 : i32
    %get3A_1009 = arith.index_cast %get3A_1006 : i32 to index
    %get3A_1010 = arith.index_cast %get3A_1007 : i32 to index
    %get3A_1011 = arith.index_cast %get3A_1008 : i32 to index
    %get3A_1012 = memref.load %arg5[%get3A_1009, %get3A_1010, %get3A_1011] : memref<2x4x10xf32, #tpu.memory_space<smem>>
    %mul3A_1013 = arith.mulf %get3A_945, %get3A_1012 : f32
    %swap3A_1014 = arith.constant 1 : i32
    %swap3A_1015 = arith.constant 2 : i32
    %swap3A_1016 = arith.constant 4 : i32
    %swap3A_1017 = arith.index_cast %swap3A_1014 : i32 to index
    %swap3A_1018 = arith.index_cast %swap3A_1015 : i32 to index
    %swap3A_1019 = arith.index_cast %swap3A_1016 : i32 to index
    %swap3A_1020 = memref.load %arg6[%swap3A_1017, %swap3A_1018, %swap3A_1019] : memref<2x4x10xf32, #tpu.memory_space<smem>>
    memref.store %mul3A_1013, %arg6[%swap3A_1017, %swap3A_1018, %swap3A_1019] : memref<2x4x10xf32, #tpu.memory_space<smem>>
    %get3A_1021 = arith.constant 1 : i32
    %get3A_1022 = arith.constant 2 : i32
    %get3A_1023 = arith.constant 5 : i32
    %get3A_1024 = arith.index_cast %get3A_1021 : i32 to index
    %get3A_1025 = arith.index_cast %get3A_1022 : i32 to index
    %get3A_1026 = arith.index_cast %get3A_1023 : i32 to index
    %get3A_1027 = memref.load %arg5[%get3A_1024, %get3A_1025, %get3A_1026] : memref<2x4x10xf32, #tpu.memory_space<smem>>
    %mul3A_1028 = arith.mulf %get3A_945, %get3A_1027 : f32
    %swap3A_1029 = arith.constant 1 : i32
    %swap3A_1030 = arith.constant 2 : i32
    %swap3A_1031 = arith.constant 5 : i32
    %swap3A_1032 = arith.index_cast %swap3A_1029 : i32 to index
    %swap3A_1033 = arith.index_cast %swap3A_1030 : i32 to index
    %swap3A_1034 = arith.index_cast %swap3A_1031 : i32 to index
    %swap3A_1035 = memref.load %arg6[%swap3A_1032, %swap3A_1033, %swap3A_1034] : memref<2x4x10xf32, #tpu.memory_space<smem>>
    memref.store %mul3A_1028, %arg6[%swap3A_1032, %swap3A_1033, %swap3A_1034] : memref<2x4x10xf32, #tpu.memory_space<smem>>
    %get3A_1036 = arith.constant 1 : i32
    %get3A_1037 = arith.constant 2 : i32
    %get3A_1038 = arith.constant 6 : i32
    %get3A_1039 = arith.index_cast %get3A_1036 : i32 to index
    %get3A_1040 = arith.index_cast %get3A_1037 : i32 to index
    %get3A_1041 = arith.index_cast %get3A_1038 : i32 to index
    %get3A_1042 = memref.load %arg5[%get3A_1039, %get3A_1040, %get3A_1041] : memref<2x4x10xf32, #tpu.memory_space<smem>>
    %mul3A_1043 = arith.mulf %get3A_945, %get3A_1042 : f32
    %swap3A_1044 = arith.constant 1 : i32
    %swap3A_1045 = arith.constant 2 : i32
    %swap3A_1046 = arith.constant 6 : i32
    %swap3A_1047 = arith.index_cast %swap3A_1044 : i32 to index
    %swap3A_1048 = arith.index_cast %swap3A_1045 : i32 to index
    %swap3A_1049 = arith.index_cast %swap3A_1046 : i32 to index
    %swap3A_1050 = memref.load %arg6[%swap3A_1047, %swap3A_1048, %swap3A_1049] : memref<2x4x10xf32, #tpu.memory_space<smem>>
    memref.store %mul3A_1043, %arg6[%swap3A_1047, %swap3A_1048, %swap3A_1049] : memref<2x4x10xf32, #tpu.memory_space<smem>>
    %get3A_1051 = arith.constant 1 : i32
    %get3A_1052 = arith.constant 2 : i32
    %get3A_1053 = arith.constant 7 : i32
    %get3A_1054 = arith.index_cast %get3A_1051 : i32 to index
    %get3A_1055 = arith.index_cast %get3A_1052 : i32 to index
    %get3A_1056 = arith.index_cast %get3A_1053 : i32 to index
    %get3A_1057 = memref.load %arg5[%get3A_1054, %get3A_1055, %get3A_1056] : memref<2x4x10xf32, #tpu.memory_space<smem>>
    %mul3A_1058 = arith.mulf %get3A_945, %get3A_1057 : f32
    %swap3A_1059 = arith.constant 1 : i32
    %swap3A_1060 = arith.constant 2 : i32
    %swap3A_1061 = arith.constant 7 : i32
    %swap3A_1062 = arith.index_cast %swap3A_1059 : i32 to index
    %swap3A_1063 = arith.index_cast %swap3A_1060 : i32 to index
    %swap3A_1064 = arith.index_cast %swap3A_1061 : i32 to index
    %swap3A_1065 = memref.load %arg6[%swap3A_1062, %swap3A_1063, %swap3A_1064] : memref<2x4x10xf32, #tpu.memory_space<smem>>
    memref.store %mul3A_1058, %arg6[%swap3A_1062, %swap3A_1063, %swap3A_1064] : memref<2x4x10xf32, #tpu.memory_space<smem>>
    %get3A_1066 = arith.constant 1 : i32
    %get3A_1067 = arith.constant 2 : i32
    %get3A_1068 = arith.constant 8 : i32
    %get3A_1069 = arith.index_cast %get3A_1066 : i32 to index
    %get3A_1070 = arith.index_cast %get3A_1067 : i32 to index
    %get3A_1071 = arith.index_cast %get3A_1068 : i32 to index
    %get3A_1072 = memref.load %arg5[%get3A_1069, %get3A_1070, %get3A_1071] : memref<2x4x10xf32, #tpu.memory_space<smem>>
    %mul3A_1073 = arith.mulf %get3A_945, %get3A_1072 : f32
    %swap3A_1074 = arith.constant 1 : i32
    %swap3A_1075 = arith.constant 2 : i32
    %swap3A_1076 = arith.constant 8 : i32
    %swap3A_1077 = arith.index_cast %swap3A_1074 : i32 to index
    %swap3A_1078 = arith.index_cast %swap3A_1075 : i32 to index
    %swap3A_1079 = arith.index_cast %swap3A_1076 : i32 to index
    %swap3A_1080 = memref.load %arg6[%swap3A_1077, %swap3A_1078, %swap3A_1079] : memref<2x4x10xf32, #tpu.memory_space<smem>>
    memref.store %mul3A_1073, %arg6[%swap3A_1077, %swap3A_1078, %swap3A_1079] : memref<2x4x10xf32, #tpu.memory_space<smem>>
    %get3A_1081 = arith.constant 1 : i32
    %get3A_1082 = arith.constant 2 : i32
    %get3A_1083 = arith.constant 9 : i32
    %get3A_1084 = arith.index_cast %get3A_1081 : i32 to index
    %get3A_1085 = arith.index_cast %get3A_1082 : i32 to index
    %get3A_1086 = arith.index_cast %get3A_1083 : i32 to index
    %get3A_1087 = memref.load %arg5[%get3A_1084, %get3A_1085, %get3A_1086] : memref<2x4x10xf32, #tpu.memory_space<smem>>
    %mul3A_1088 = arith.mulf %get3A_945, %get3A_1087 : f32
    %swap3A_1089 = arith.constant 1 : i32
    %swap3A_1090 = arith.constant 2 : i32
    %swap3A_1091 = arith.constant 9 : i32
    %swap3A_1092 = arith.index_cast %swap3A_1089 : i32 to index
    %swap3A_1093 = arith.index_cast %swap3A_1090 : i32 to index
    %swap3A_1094 = arith.index_cast %swap3A_1091 : i32 to index
    %swap3A_1095 = memref.load %arg6[%swap3A_1092, %swap3A_1093, %swap3A_1094] : memref<2x4x10xf32, #tpu.memory_space<smem>>
    memref.store %mul3A_1088, %arg6[%swap3A_1092, %swap3A_1093, %swap3A_1094] : memref<2x4x10xf32, #tpu.memory_space<smem>>
    %get3A_1096 = arith.constant 1 : i32
    %get3A_1097 = arith.constant 3 : i32
    %get3A_1098 = arith.constant 0 : i32
    %get3A_1099 = arith.index_cast %get3A_1096 : i32 to index
    %get3A_1100 = arith.index_cast %get3A_1097 : i32 to index
    %get3A_1101 = arith.index_cast %get3A_1098 : i32 to index
    %get3A_1102 = memref.load %arg4[%get3A_1099, %get3A_1100, %get3A_1101] : memref<2x4x1xf32, #tpu.memory_space<smem>>
    %get3A_1103 = arith.constant 1 : i32
    %get3A_1104 = arith.constant 3 : i32
    %get3A_1105 = arith.constant 0 : i32
    %get3A_1106 = arith.index_cast %get3A_1103 : i32 to index
    %get3A_1107 = arith.index_cast %get3A_1104 : i32 to index
    %get3A_1108 = arith.index_cast %get3A_1105 : i32 to index
    %get3A_1109 = memref.load %arg5[%get3A_1106, %get3A_1107, %get3A_1108] : memref<2x4x10xf32, #tpu.memory_space<smem>>
    %mul3A_1110 = arith.mulf %get3A_1102, %get3A_1109 : f32
    %swap3A_1111 = arith.constant 1 : i32
    %swap3A_1112 = arith.constant 3 : i32
    %swap3A_1113 = arith.constant 0 : i32
    %swap3A_1114 = arith.index_cast %swap3A_1111 : i32 to index
    %swap3A_1115 = arith.index_cast %swap3A_1112 : i32 to index
    %swap3A_1116 = arith.index_cast %swap3A_1113 : i32 to index
    %swap3A_1117 = memref.load %arg6[%swap3A_1114, %swap3A_1115, %swap3A_1116] : memref<2x4x10xf32, #tpu.memory_space<smem>>
    memref.store %mul3A_1110, %arg6[%swap3A_1114, %swap3A_1115, %swap3A_1116] : memref<2x4x10xf32, #tpu.memory_space<smem>>
    %get3A_1118 = arith.constant 1 : i32
    %get3A_1119 = arith.constant 3 : i32
    %get3A_1120 = arith.constant 1 : i32
    %get3A_1121 = arith.index_cast %get3A_1118 : i32 to index
    %get3A_1122 = arith.index_cast %get3A_1119 : i32 to index
    %get3A_1123 = arith.index_cast %get3A_1120 : i32 to index
    %get3A_1124 = memref.load %arg5[%get3A_1121, %get3A_1122, %get3A_1123] : memref<2x4x10xf32, #tpu.memory_space<smem>>
    %mul3A_1125 = arith.mulf %get3A_1102, %get3A_1124 : f32
    %swap3A_1126 = arith.constant 1 : i32
    %swap3A_1127 = arith.constant 3 : i32
    %swap3A_1128 = arith.constant 1 : i32
    %swap3A_1129 = arith.index_cast %swap3A_1126 : i32 to index
    %swap3A_1130 = arith.index_cast %swap3A_1127 : i32 to index
    %swap3A_1131 = arith.index_cast %swap3A_1128 : i32 to index
    %swap3A_1132 = memref.load %arg6[%swap3A_1129, %swap3A_1130, %swap3A_1131] : memref<2x4x10xf32, #tpu.memory_space<smem>>
    memref.store %mul3A_1125, %arg6[%swap3A_1129, %swap3A_1130, %swap3A_1131] : memref<2x4x10xf32, #tpu.memory_space<smem>>
    %get3A_1133 = arith.constant 1 : i32
    %get3A_1134 = arith.constant 3 : i32
    %get3A_1135 = arith.constant 2 : i32
    %get3A_1136 = arith.index_cast %get3A_1133 : i32 to index
    %get3A_1137 = arith.index_cast %get3A_1134 : i32 to index
    %get3A_1138 = arith.index_cast %get3A_1135 : i32 to index
    %get3A_1139 = memref.load %arg5[%get3A_1136, %get3A_1137, %get3A_1138] : memref<2x4x10xf32, #tpu.memory_space<smem>>
    %mul3A_1140 = arith.mulf %get3A_1102, %get3A_1139 : f32
    %swap3A_1141 = arith.constant 1 : i32
    %swap3A_1142 = arith.constant 3 : i32
    %swap3A_1143 = arith.constant 2 : i32
    %swap3A_1144 = arith.index_cast %swap3A_1141 : i32 to index
    %swap3A_1145 = arith.index_cast %swap3A_1142 : i32 to index
    %swap3A_1146 = arith.index_cast %swap3A_1143 : i32 to index
    %swap3A_1147 = memref.load %arg6[%swap3A_1144, %swap3A_1145, %swap3A_1146] : memref<2x4x10xf32, #tpu.memory_space<smem>>
    memref.store %mul3A_1140, %arg6[%swap3A_1144, %swap3A_1145, %swap3A_1146] : memref<2x4x10xf32, #tpu.memory_space<smem>>
    %get3A_1148 = arith.constant 1 : i32
    %get3A_1149 = arith.constant 3 : i32
    %get3A_1150 = arith.constant 3 : i32
    %get3A_1151 = arith.index_cast %get3A_1148 : i32 to index
    %get3A_1152 = arith.index_cast %get3A_1149 : i32 to index
    %get3A_1153 = arith.index_cast %get3A_1150 : i32 to index
    %get3A_1154 = memref.load %arg5[%get3A_1151, %get3A_1152, %get3A_1153] : memref<2x4x10xf32, #tpu.memory_space<smem>>
    %mul3A_1155 = arith.mulf %get3A_1102, %get3A_1154 : f32
    %swap3A_1156 = arith.constant 1 : i32
    %swap3A_1157 = arith.constant 3 : i32
    %swap3A_1158 = arith.constant 3 : i32
    %swap3A_1159 = arith.index_cast %swap3A_1156 : i32 to index
    %swap3A_1160 = arith.index_cast %swap3A_1157 : i32 to index
    %swap3A_1161 = arith.index_cast %swap3A_1158 : i32 to index
    %swap3A_1162 = memref.load %arg6[%swap3A_1159, %swap3A_1160, %swap3A_1161] : memref<2x4x10xf32, #tpu.memory_space<smem>>
    memref.store %mul3A_1155, %arg6[%swap3A_1159, %swap3A_1160, %swap3A_1161] : memref<2x4x10xf32, #tpu.memory_space<smem>>
    %get3A_1163 = arith.constant 1 : i32
    %get3A_1164 = arith.constant 3 : i32
    %get3A_1165 = arith.constant 4 : i32
    %get3A_1166 = arith.index_cast %get3A_1163 : i32 to index
    %get3A_1167 = arith.index_cast %get3A_1164 : i32 to index
    %get3A_1168 = arith.index_cast %get3A_1165 : i32 to index
    %get3A_1169 = memref.load %arg5[%get3A_1166, %get3A_1167, %get3A_1168] : memref<2x4x10xf32, #tpu.memory_space<smem>>
    %mul3A_1170 = arith.mulf %get3A_1102, %get3A_1169 : f32
    %swap3A_1171 = arith.constant 1 : i32
    %swap3A_1172 = arith.constant 3 : i32
    %swap3A_1173 = arith.constant 4 : i32
    %swap3A_1174 = arith.index_cast %swap3A_1171 : i32 to index
    %swap3A_1175 = arith.index_cast %swap3A_1172 : i32 to index
    %swap3A_1176 = arith.index_cast %swap3A_1173 : i32 to index
    %swap3A_1177 = memref.load %arg6[%swap3A_1174, %swap3A_1175, %swap3A_1176] : memref<2x4x10xf32, #tpu.memory_space<smem>>
    memref.store %mul3A_1170, %arg6[%swap3A_1174, %swap3A_1175, %swap3A_1176] : memref<2x4x10xf32, #tpu.memory_space<smem>>
    %get3A_1178 = arith.constant 1 : i32
    %get3A_1179 = arith.constant 3 : i32
    %get3A_1180 = arith.constant 5 : i32
    %get3A_1181 = arith.index_cast %get3A_1178 : i32 to index
    %get3A_1182 = arith.index_cast %get3A_1179 : i32 to index
    %get3A_1183 = arith.index_cast %get3A_1180 : i32 to index
    %get3A_1184 = memref.load %arg5[%get3A_1181, %get3A_1182, %get3A_1183] : memref<2x4x10xf32, #tpu.memory_space<smem>>
    %mul3A_1185 = arith.mulf %get3A_1102, %get3A_1184 : f32
    %swap3A_1186 = arith.constant 1 : i32
    %swap3A_1187 = arith.constant 3 : i32
    %swap3A_1188 = arith.constant 5 : i32
    %swap3A_1189 = arith.index_cast %swap3A_1186 : i32 to index
    %swap3A_1190 = arith.index_cast %swap3A_1187 : i32 to index
    %swap3A_1191 = arith.index_cast %swap3A_1188 : i32 to index
    %swap3A_1192 = memref.load %arg6[%swap3A_1189, %swap3A_1190, %swap3A_1191] : memref<2x4x10xf32, #tpu.memory_space<smem>>
    memref.store %mul3A_1185, %arg6[%swap3A_1189, %swap3A_1190, %swap3A_1191] : memref<2x4x10xf32, #tpu.memory_space<smem>>
    %get3A_1193 = arith.constant 1 : i32
    %get3A_1194 = arith.constant 3 : i32
    %get3A_1195 = arith.constant 6 : i32
    %get3A_1196 = arith.index_cast %get3A_1193 : i32 to index
    %get3A_1197 = arith.index_cast %get3A_1194 : i32 to index
    %get3A_1198 = arith.index_cast %get3A_1195 : i32 to index
    %get3A_1199 = memref.load %arg5[%get3A_1196, %get3A_1197, %get3A_1198] : memref<2x4x10xf32, #tpu.memory_space<smem>>
    %mul3A_1200 = arith.mulf %get3A_1102, %get3A_1199 : f32
    %swap3A_1201 = arith.constant 1 : i32
    %swap3A_1202 = arith.constant 3 : i32
    %swap3A_1203 = arith.constant 6 : i32
    %swap3A_1204 = arith.index_cast %swap3A_1201 : i32 to index
    %swap3A_1205 = arith.index_cast %swap3A_1202 : i32 to index
    %swap3A_1206 = arith.index_cast %swap3A_1203 : i32 to index
    %swap3A_1207 = memref.load %arg6[%swap3A_1204, %swap3A_1205, %swap3A_1206] : memref<2x4x10xf32, #tpu.memory_space<smem>>
    memref.store %mul3A_1200, %arg6[%swap3A_1204, %swap3A_1205, %swap3A_1206] : memref<2x4x10xf32, #tpu.memory_space<smem>>
    %get3A_1208 = arith.constant 1 : i32
    %get3A_1209 = arith.constant 3 : i32
    %get3A_1210 = arith.constant 7 : i32
    %get3A_1211 = arith.index_cast %get3A_1208 : i32 to index
    %get3A_1212 = arith.index_cast %get3A_1209 : i32 to index
    %get3A_1213 = arith.index_cast %get3A_1210 : i32 to index
    %get3A_1214 = memref.load %arg5[%get3A_1211, %get3A_1212, %get3A_1213] : memref<2x4x10xf32, #tpu.memory_space<smem>>
    %mul3A_1215 = arith.mulf %get3A_1102, %get3A_1214 : f32
    %swap3A_1216 = arith.constant 1 : i32
    %swap3A_1217 = arith.constant 3 : i32
    %swap3A_1218 = arith.constant 7 : i32
    %swap3A_1219 = arith.index_cast %swap3A_1216 : i32 to index
    %swap3A_1220 = arith.index_cast %swap3A_1217 : i32 to index
    %swap3A_1221 = arith.index_cast %swap3A_1218 : i32 to index
    %swap3A_1222 = memref.load %arg6[%swap3A_1219, %swap3A_1220, %swap3A_1221] : memref<2x4x10xf32, #tpu.memory_space<smem>>
    memref.store %mul3A_1215, %arg6[%swap3A_1219, %swap3A_1220, %swap3A_1221] : memref<2x4x10xf32, #tpu.memory_space<smem>>
    %get3A_1223 = arith.constant 1 : i32
    %get3A_1224 = arith.constant 3 : i32
    %get3A_1225 = arith.constant 8 : i32
    %get3A_1226 = arith.index_cast %get3A_1223 : i32 to index
    %get3A_1227 = arith.index_cast %get3A_1224 : i32 to index
    %get3A_1228 = arith.index_cast %get3A_1225 : i32 to index
    %get3A_1229 = memref.load %arg5[%get3A_1226, %get3A_1227, %get3A_1228] : memref<2x4x10xf32, #tpu.memory_space<smem>>
    %mul3A_1230 = arith.mulf %get3A_1102, %get3A_1229 : f32
    %swap3A_1231 = arith.constant 1 : i32
    %swap3A_1232 = arith.constant 3 : i32
    %swap3A_1233 = arith.constant 8 : i32
    %swap3A_1234 = arith.index_cast %swap3A_1231 : i32 to index
    %swap3A_1235 = arith.index_cast %swap3A_1232 : i32 to index
    %swap3A_1236 = arith.index_cast %swap3A_1233 : i32 to index
    %swap3A_1237 = memref.load %arg6[%swap3A_1234, %swap3A_1235, %swap3A_1236] : memref<2x4x10xf32, #tpu.memory_space<smem>>
    memref.store %mul3A_1230, %arg6[%swap3A_1234, %swap3A_1235, %swap3A_1236] : memref<2x4x10xf32, #tpu.memory_space<smem>>
    %get3A_1238 = arith.constant 1 : i32
    %get3A_1239 = arith.constant 3 : i32
    %get3A_1240 = arith.constant 9 : i32
    %get3A_1241 = arith.index_cast %get3A_1238 : i32 to index
    %get3A_1242 = arith.index_cast %get3A_1239 : i32 to index
    %get3A_1243 = arith.index_cast %get3A_1240 : i32 to index
    %get3A_1244 = memref.load %arg5[%get3A_1241, %get3A_1242, %get3A_1243] : memref<2x4x10xf32, #tpu.memory_space<smem>>
    %mul3A_1245 = arith.mulf %get3A_1102, %get3A_1244 : f32
    %swap3A_1246 = arith.constant 1 : i32
    %swap3A_1247 = arith.constant 3 : i32
    %swap3A_1248 = arith.constant 9 : i32
    %swap3A_1249 = arith.index_cast %swap3A_1246 : i32 to index
    %swap3A_1250 = arith.index_cast %swap3A_1247 : i32 to index
    %swap3A_1251 = arith.index_cast %swap3A_1248 : i32 to index
    %swap3A_1252 = memref.load %arg6[%swap3A_1249, %swap3A_1250, %swap3A_1251] : memref<2x4x10xf32, #tpu.memory_space<smem>>
    memref.store %mul3A_1245, %arg6[%swap3A_1249, %swap3A_1250, %swap3A_1251] : memref<2x4x10xf32, #tpu.memory_space<smem>>
    "tpu.region"() ({
      %run_scoped3A = tpu.sem_alloc : memref<!tpu.dma_semaphore, #tpu.memory_space<semaphore_mem>>
      tpu.enqueue_dma source(%arg6 : memref<2x4x10xf32, #tpu.memory_space<smem>>) target(%arg3 : memref<2x4x10xf32, #tpu.memory_space<hbm>>) target_semaphore(%run_scoped3A : memref<!tpu.dma_semaphore, #tpu.memory_space<semaphore_mem>>)
      tpu.wait_dma2 semaphore(%run_scoped3A : memref<!tpu.dma_semaphore, #tpu.memory_space<semaphore_mem>>) src(%arg6 : memref<2x4x10xf32, #tpu.memory_space<smem>>) dst(%arg3 : memref<2x4x10xf32, #tpu.memory_space<hbm>>)
      tpu.yield
    }) : () -> ()
    return
  }
}

</mosaic_0001>

<sc_bundles>
// kernel: kernel.3.cloned.1.call-start
scs
__scs_entry_jumppad:
0x0: {  	(pc) =	sbr.rel $0x88, $3  }
0x1: {  	(tag) =	ssettag $0x0;
	lr =	simm.s32 $0x1  }
0x2: {  	[smem:$0x3F9F] =	sst lr;
	_ =	strace $0xD0000000  }
0x3: {  	_ = 	snop  }
0x4: {  	_ = 	snop  }
0x5: {  	_ = 	snop  }
0x6: {  	_ = 	snop  }
0x7: {  	_ = 	snop  }
__scs_overlays_trampoline_lowered:
0x8: {  	[smem:$0x3FAE] =	sst s0  }
0x9: {  	[smem:$0x3FAF] =	sst s1  }
0xa: {  	[smem:$0x3FB0] =	sst s2  }
0xb: {  	[smem:$0x3FB1] =	sst s3  }
0xc: {  	[smem:$0x3FB2] =	sst s4  }
0xd: {  	[smem:$0x3FB3] =	sst s5  }
0xe: {  	[smem:$0x3FB4] =	sst s6  }
0xf: {  	[smem:$0x3FB5] =	sst s7  }
0x10: {  	[smem:$0x3FB6] =	sst s8  }
0x11: {  	[smem:$0x3FB7] =	sst s9;
	s0 =	simm.s32 @!p0 $0x0  }
0x12: {  	s1 =	sld [smem:$0x3F9D];
	s0 =	simm.s32 @p0 $0x1  }
0x13: {  	[smem:$0x3FB8] =	sst s0;
	s0 =	simm.s32 @!p1 $0x0  }
0x14: {  	s2 =	sld [smem:$0x3F9C];
	s0 =	simm.s32 @p1 $0x1  }
0x15: {  	[smem:$0x3FB9] =	sst s0;
	s0 =	simm.s32 @!p2 $0x0  }
0x16: {  	s3 =	sld [smem:$0x3FDB];
	s0 =	simm.s32 @p2 $0x1  }
0x17: {  	s4 =	simm.s32 $0x1BF5;
	[smem:$0x3FBB] =	sst s0  }
0x18: {  	s0 =	sld [smem:$0x3F9E];
	_ =	swait.ge [sflag:s4], $0x0  }
0x19: {  	s7 =	sld [smem:$0x3F9F]  }
0x1a: {  	s8 =	sadd.s32 $0xFFFFE003, lr  }
0x1b: {  	s9 =	sadd.s32 $0xFFFFFEF7, lr;
	s5 =	simm.s32 $0xFFFFFFFF;
	p2 =	slt.u32 s8, $0xFFFFF086  }
0x1c: {  	p1 =	slt.u32 s9, $0xF7A;
	s5 =	simm.s32 @!p2 $0x0  }
0x1d: {  	s5 =	simm.s32 @p1 $0x1;
	p0 =	seq.s32 s7, s2  }
0x1e: {  	s7 =	smul.u32 @!p0 $0xF7A, s2;
	p2 =	seq.s32 @!p0 s5, $0x0  }
0x1f: {  	s9 =	smul.u32 $0xF7A, s1;
	s8 =	simm.s32 @!p0 $0x1BF5;
	p2 =	por !p2, p0  }
0x20: {  	[sflag:s8] =	ssyncset.s32 @!p0 $0xFFFFF086;
	s6 =	sadd.s32 @!p0 s3, s7;
	s7 =	simm.s32 @!p0 $0x108  }
0x21: {  	s3 =	sadd.s32 s3, s9;
	s6 =	sadd.s32 @!p0 $0x88, s6;
	s7 =	simm.s32 @p2 $0x1082  }
0x22: {  	[simem:s7], [sflag:s8] =	dma.local @!p0 [hbm:s6], $0xF7A  }
0x23: {  	s9 =	sor.u32 $0xD0000000, s2;
	s6 =	simm.s32 $0x108;
	_ =	swait.ge @!p0 [sflag:s8], $0x0  }
0x24: {  	s3 =	sadd.s32 $0x88, s3;
	s6 =	simm.s32 @!p1 $0x1082;
	[sflag:s4] =	ssyncset.s32 $0xFFFFF086  }
0x25: {  	[simem:s6], [sflag:s4] =	dma.local [hbm:s3], $0xF7A  }
0x26: {  	[smem:$0x3F9F] =	sst s1;
	(tag) =	ssettag s2;
	_ =	strace s9  }
0x27: {  	s1 =	sld [smem:$0x3FAF]  }
0x28: {  	s2 =	sld [smem:$0x3FB0]  }
0x29: {  	s4 =	sld [smem:$0x3FB2]  }
0x2a: {  	p0 =	seq.s32 s5, $0x0;
	s5 =	sld [smem:$0x3FB3]  }
0x2b: {  	s6 =	sld [smem:$0x3FB4]  }
0x2c: {  	s7 =	sld [smem:$0x3FB5]  }
0x2d: {  	s3 =	simm.s32 $0x108;
	s8 =	sld [smem:$0x3FB6]  }
0x2e: {  	s3 =	simm.s32 @!p0 $0x1082;
	s9 =	sld [smem:$0x3FB7]  }
0x2f: {  	lr =	sadd.s32 s0, s3;
	s0 =	sld [smem:$0x3FAE]  }
0x30: {  	s3 =	sld [smem:$0x3FB1]  }
0x31: {  	[smem:$0x3FBA] =	sst s10  }
0x32: {  	s10 =	sld [smem:$0x3FB8];
	_ =	sdelay $0x3  }
0x33: {  	p0 =	seq.s32 s10, $0x1;
	s10 =	sld [smem:$0x3FBA];
	_ =	sdelay $0x3  }
0x34: {  	[smem:$0x3FBA] =	sst s10  }
0x35: {  	s10 =	sld [smem:$0x3FB9];
	_ =	sdelay $0x3  }
0x36: {  	p1 =	seq.s32 s10, $0x1;
	s10 =	sld [smem:$0x3FBA];
	_ =	sdelay $0x3  }
0x37: {  	[smem:$0x3FBA] =	sst s10  }
0x38: {  	s10 =	sld [smem:$0x3FBB]  }
0x39: {  	_ = 	snop;
	(pc) =	sbr.ind lr, $3  }
0x3a: {  	_ = 	snop  }
0x3b: {  	_ = 	snop  }
0x3c: {  	p2 =	seq.s32 s10, $0x1;
	s10 =	sld [smem:$0x3FBA]  }
0x3d: {  	_ =	shalt  }
0x3e: {  	_ =	shalt  }
0x3f: {  	_ =	shalt  }
0x40: {  	_ =	shalt  }
0x41: {  	_ =	shalt  }
0x42: {  	_ =	shalt  }
0x43: {  	_ =	shalt  }
0x44: {  	_ =	shalt  }
0x45: {  	_ =	shalt  }
0x46: {  	_ =	shalt  }
0x47: {  	_ =	shalt  }
0x48: {  	_ =	shalt  }
0x49: {  	_ =	shalt  }
0x4a: {  	_ =	shalt  }
0x4b: {  	_ =	shalt  }
0x4c: {  	_ =	shalt  }
0x4d: {  	_ =	shalt  }
0x4e: {  	_ =	shalt  }
0x4f: {  	_ =	shalt  }
0x50: {  	_ =	shalt  }
0x51: {  	_ =	shalt  }
0x52: {  	_ =	shalt  }
0x53: {  	_ =	shalt  }
0x54: {  	_ =	shalt  }
0x55: {  	_ =	shalt  }
0x56: {  	_ =	shalt  }
0x57: {  	_ =	shalt  }
0x58: {  	_ =	shalt  }
0x59: {  	_ =	shalt  }
0x5a: {  	_ =	shalt  }
0x5b: {  	_ =	shalt  }
0x5c: {  	_ =	shalt  }
0x5d: {  	_ =	shalt  }
0x5e: {  	_ =	shalt  }
0x5f: {  	_ =	shalt  }
0x60: {  	_ =	shalt  }
0x61: {  	_ =	shalt  }
0x62: {  	_ =	shalt  }
0x63: {  	_ =	shalt  }
0x64: {  	_ =	shalt  }
0x65: {  	_ =	shalt  }
0x66: {  	_ =	shalt  }
0x67: {  	_ =	shalt  }
0x68: {  	_ =	shalt  }
0x69: {  	_ =	shalt  }
0x6a: {  	_ =	shalt  }
0x6b: {  	_ =	shalt  }
0x6c: {  	_ =	shalt  }
0x6d: {  	_ =	shalt  }
0x6e: {  	_ =	shalt  }
0x6f: {  	_ =	shalt  }
0x70: {  	_ =	shalt  }
0x71: {  	_ =	shalt  }
0x72: {  	_ =	shalt  }
0x73: {  	_ =	shalt  }
0x74: {  	_ =	shalt  }
0x75: {  	_ =	shalt  }
0x76: {  	_ =	shalt  }
0x77: {  	_ =	shalt  }
0x78: {  	_ =	shalt  }
0x79: {  	_ =	shalt  }
0x7a: {  	_ =	shalt  }
0x7b: {  	_ =	shalt  }
0x7c: {  	_ =	shalt  }
0x7d: {  	_ =	shalt  }
0x7e: {  	_ =	shalt  }
0x7f: {  	_ =	shalt  }
0x80: {  	_ =	shalt  }
0x81: {  	_ =	shalt  }
0x82: {  	_ =	shalt  }
0x83: {  	_ =	shalt  }
0x84: {  	_ =	shalt  }
0x85: {  	_ =	shalt  }
0x86: {  	_ =	shalt  }
0x87: {  	_ =	shalt  }
.Lfunc_end0:
.L_simem_size_0:
called_computation_lowered:
.L_overlay_start_0:
0x88: {  	s0 =	sld [smem:$0x3FD9]  }
0x89: {  	s1 =	sld [smem:$0x3FFE];
	_ =	sdelay $0x3  }
0x8a: {  	s0 =	sadd.s32 s1, s0  }
0x8b: {  	[smem:$0x3FC6] =	sst s0  }
0x8c: {  	_ = 	snop  }
0x8d: {  	s10 =	sld [smem:$0x3FC8]  }
0x8e: {  	s0 =	sld [smem:$0x3FD0];
	(tm) =	ssettm $0x1  }
0x8f: {  	s2 =	sld [smem:$0x3FFB];
	_ =	sdelay $0x3  }
0x90: {  	_ =	strace s2  }
0x91: {  	s2 =	sld [smem:$0x3FFC];
	_ =	sdelay $0x3  }
0x92: {  	_ =	strace s2  }
0x93: {  	s2 =	sld [smem:$0x3FFD];
	_ =	sdelay $0x3  }
0x94: {  	_ =	strace s2  }
0x95: {  	s11 =	simm.s32 $0x1B8B;
	_ =	strace $0x8FFFFFFF  }
0x96: {  	_ =	swait.ge [sflag:s11], $0x1  }
0x97: {  	s3 =	sld [smem:$0x3FFE]  }
0x98: {  	[sflag:s11] =	ssyncset.done $0x0  }
0x99: {  	s12 =	simm.s32 $0x1B8E;
	[sflag:s11] =	ssyncadd.s32 $0xFFFFFFFF  }
0x9a: {  	s14 =	simm.s32 $0x9;
	s4 =	simm.s32 $0x10;
	[smem:$0x3FD2] =	sst s12  }
0x9b: {  	s15 =	simm.s32 $0x410;
	_ =	strace $0x80000046;
	s13 =	sadd.s32 $0x600, s3  }
0x9c: {  	[smem:s4], [sflag:s14] =	dma.local [hbm:s13], $0x80  }
0x9d: {  	[smem:s15], [sflag:s14] =	dma.local [hbm:s10], $0x80  }
0x9e: {  	_ =	swait.ge [sflag:s14], $0x80  }
0x9f: {  	[sflag:s14] =	ssyncset.done $0x0  }
0xa0: {  	[sflag:s14] =	ssyncadd.s32 $0xFFFFFF80;
	_ =	sdelay $0x2  }
0xa1: {  	_ =	swait.ge [sflag:s14], $0x80  }
0xa2: {  	[sflag:s14] =	ssyncset.done $0x0  }
0xa3: {  	[sflag:s14] =	ssyncadd.s32 $0xFFFFFF80  }
0xa4: {  	s16 =	sld [smem:$0x10]  }
0xa5: {  	s17 =	sld [smem:$0x410];
	_ =	sdelay $0x3  }
0xa6: {  	s2 =	smul.f32 s17, s16;
	_ =	sdelay $0x1  }
0xa7: {  	[smem:$0x810] =	sst s2  }
0xa8: {  	s2 =	sld [smem:$0x411];
	_ =	sdelay $0x3  }
0xa9: {  	s2 =	smul.f32 s2, s16;
	_ =	sdelay $0x1  }
0xaa: {  	[smem:$0x811] =	sst s2  }
0xab: {  	s2 =	sld [smem:$0x412];
	_ =	sdelay $0x3  }
0xac: {  	s2 =	smul.f32 s2, s16;
	_ =	sdelay $0x1  }
0xad: {  	[smem:$0x812] =	sst s2  }
0xae: {  	s2 =	sld [smem:$0x413];
	_ =	sdelay $0x3  }
0xaf: {  	s2 =	smul.f32 s2, s16;
	_ =	sdelay $0x1  }
0xb0: {  	[smem:$0x813] =	sst s2  }
0xb1: {  	s2 =	sld [smem:$0x414];
	_ =	sdelay $0x3  }
0xb2: {  	s2 =	smul.f32 s2, s16;
	_ =	sdelay $0x1  }
0xb3: {  	[smem:$0x814] =	sst s2  }
0xb4: {  	s2 =	sld [smem:$0x415];
	_ =	sdelay $0x3  }
0xb5: {  	s2 =	smul.f32 s2, s16;
	_ =	sdelay $0x1  }
0xb6: {  	[smem:$0x815] =	sst s2  }
0xb7: {  	s2 =	sld [smem:$0x416];
	_ =	sdelay $0x3  }
0xb8: {  	s2 =	smul.f32 s2, s16;
	_ =	sdelay $0x1  }
0xb9: {  	[smem:$0x816] =	sst s2  }
0xba: {  	s2 =	sld [smem:$0x417];
	_ =	sdelay $0x3  }
0xbb: {  	s2 =	smul.f32 s2, s16;
	_ =	sdelay $0x1  }
0xbc: {  	[smem:$0x817] =	sst s2  }
0xbd: {  	s2 =	sld [smem:$0x418];
	_ =	sdelay $0x3  }
0xbe: {  	s2 =	smul.f32 s2, s16;
	_ =	sdelay $0x1  }
0xbf: {  	[smem:$0x818] =	sst s2  }
0xc0: {  	s2 =	sld [smem:$0x419];
	_ =	sdelay $0x3  }
0xc1: {  	s1 =	smul.f32 s2, s16;
	_ =	sdelay $0x1  }
0xc2: {  	[smem:$0x819] =	sst s1  }
0xc3: {  	s1 =	sld [smem:$0x90]  }
0xc4: {  	s18 =	sld [smem:$0x490];
	_ =	sdelay $0x3  }
0xc5: {  	s2 =	smul.f32 s18, s1;
	_ =	sdelay $0x1  }
0xc6: {  	[smem:$0x890] =	sst s2  }
0xc7: {  	s2 =	sld [smem:$0x491];
	_ =	sdelay $0x3  }
0xc8: {  	s2 =	smul.f32 s2, s1;
	_ =	sdelay $0x1  }
0xc9: {  	[smem:$0x891] =	sst s2  }
0xca: {  	s2 =	sld [smem:$0x492];
	_ =	sdelay $0x3  }
0xcb: {  	s2 =	smul.f32 s2, s1;
	_ =	sdelay $0x1  }
0xcc: {  	[smem:$0x892] =	sst s2  }
0xcd: {  	s2 =	sld [smem:$0x493];
	_ =	sdelay $0x3  }
0xce: {  	s2 =	smul.f32 s2, s1;
	_ =	sdelay $0x1  }
0xcf: {  	[smem:$0x893] =	sst s2  }
0xd0: {  	s2 =	sld [smem:$0x494];
	_ =	sdelay $0x3  }
0xd1: {  	s2 =	smul.f32 s2, s1;
	_ =	sdelay $0x1  }
0xd2: {  	[smem:$0x894] =	sst s2  }
0xd3: {  	s2 =	sld [smem:$0x495];
	_ =	sdelay $0x3  }
0xd4: {  	s2 =	smul.f32 s2, s1;
	_ =	sdelay $0x1  }
0xd5: {  	[smem:$0x895] =	sst s2  }
0xd6: {  	s2 =	sld [smem:$0x496];
	_ =	sdelay $0x3  }
0xd7: {  	s2 =	smul.f32 s2, s1;
	_ =	sdelay $0x1  }
0xd8: {  	[smem:$0x896] =	sst s2  }
0xd9: {  	s2 =	sld [smem:$0x497];
	_ =	sdelay $0x3  }
0xda: {  	s2 =	smul.f32 s2, s1;
	_ =	sdelay $0x1  }
0xdb: {  	[smem:$0x897] =	sst s2  }
0xdc: {  	s2 =	sld [smem:$0x498];
	_ =	sdelay $0x3  }
0xdd: {  	s2 =	smul.f32 s2, s1;
	_ =	sdelay $0x1  }
0xde: {  	[smem:$0x898] =	sst s2  }
0xdf: {  	s2 =	sld [smem:$0x499];
	_ =	sdelay $0x3  }
0xe0: {  	s1 =	smul.f32 s2, s1;
	_ =	sdelay $0x1  }
0xe1: {  	[smem:$0x899] =	sst s1  }
0xe2: {  	s1 =	sld [smem:$0x110]  }
0xe3: {  	s19 =	sld [smem:$0x510];
	_ =	sdelay $0x3  }
0xe4: {  	s2 =	smul.f32 s19, s1;
	_ =	sdelay $0x1  }
0xe5: {  	[smem:$0x910] =	sst s2  }
0xe6: {  	s2 =	sld [smem:$0x511];
	_ =	sdelay $0x3  }
0xe7: {  	s2 =	smul.f32 s2, s1;
	_ =	sdelay $0x1  }
0xe8: {  	[smem:$0x911] =	sst s2  }
0xe9: {  	s2 =	sld [smem:$0x512];
	_ =	sdelay $0x3  }
0xea: {  	s2 =	smul.f32 s2, s1;
	_ =	sdelay $0x1  }
0xeb: {  	[smem:$0x912] =	sst s2  }
0xec: {  	s2 =	sld [smem:$0x513];
	_ =	sdelay $0x3  }
0xed: {  	s2 =	smul.f32 s2, s1;
	_ =	sdelay $0x1  }
0xee: {  	[smem:$0x913] =	sst s2  }
0xef: {  	s2 =	sld [smem:$0x514];
	_ =	sdelay $0x3  }
0xf0: {  	s2 =	smul.f32 s2, s1;
	_ =	sdelay $0x1  }
0xf1: {  	[smem:$0x914] =	sst s2  }
0xf2: {  	s2 =	sld [smem:$0x515];
	_ =	sdelay $0x3  }
0xf3: {  	s2 =	smul.f32 s2, s1;
	_ =	sdelay $0x1  }
0xf4: {  	[smem:$0x915] =	sst s2  }
0xf5: {  	s2 =	sld [smem:$0x516];
	_ =	sdelay $0x3  }
0xf6: {  	s2 =	smul.f32 s2, s1;
	_ =	sdelay $0x1  }
0xf7: {  	[smem:$0x916] =	sst s2  }
0xf8: {  	s2 =	sld [smem:$0x517];
	_ =	sdelay $0x3  }
0xf9: {  	s2 =	smul.f32 s2, s1;
	_ =	sdelay $0x1  }
0xfa: {  	[smem:$0x917] =	sst s2  }
0xfb: {  	s2 =	sld [smem:$0x518];
	_ =	sdelay $0x3  }
0xfc: {  	s2 =	smul.f32 s2, s1;
	_ =	sdelay $0x1  }
0xfd: {  	[smem:$0x918] =	sst s2  }
0xfe: {  	s2 =	sld [smem:$0x519];
	_ =	sdelay $0x3  }
0xff: {  	s1 =	smul.f32 s2, s1;
	_ =	sdelay $0x1  }
0x100: {  	[smem:$0x919] =	sst s1  }
0x101: {  	s1 =	sld [smem:$0x190]  }
0x102: {  	s20 =	sld [smem:$0x590];
	_ =	sdelay $0x3  }
0x103: {  	s2 =	smul.f32 s20, s1;
	_ =	sdelay $0x1  }
0x104: {  	[smem:$0x990] =	sst s2  }
0x105: {  	s2 =	sld [smem:$0x591];
	_ =	sdelay $0x3  }
0x106: {  	s2 =	smul.f32 s2, s1;
	_ =	sdelay $0x1  }
0x107: {  	[smem:$0x991] =	sst s2  }
0x108: {  	s2 =	sld [smem:$0x592];
	_ =	sdelay $0x3  }
0x109: {  	s2 =	smul.f32 s2, s1;
	_ =	sdelay $0x1  }
0x10a: {  	[smem:$0x992] =	sst s2  }
0x10b: {  	s2 =	sld [smem:$0x593];
	_ =	sdelay $0x3  }
0x10c: {  	s2 =	smul.f32 s2, s1;
	_ =	sdelay $0x1  }
0x10d: {  	[smem:$0x993] =	sst s2  }
0x10e: {  	s2 =	sld [smem:$0x594];
	_ =	sdelay $0x3  }
0x10f: {  	s2 =	smul.f32 s2, s1;
	_ =	sdelay $0x1  }
0x110: {  	[smem:$0x994] =	sst s2  }
0x111: {  	s2 =	sld [smem:$0x595];
	_ =	sdelay $0x3  }
0x112: {  	s2 =	smul.f32 s2, s1;
	_ =	sdelay $0x1  }
0x113: {  	[smem:$0x995] =	sst s2  }
0x114: {  	s2 =	sld [smem:$0x596];
	_ =	sdelay $0x3  }
0x115: {  	s2 =	smul.f32 s2, s1;
	_ =	sdelay $0x1  }
0x116: {  	[smem:$0x996] =	sst s2  }
0x117: {  	s2 =	sld [smem:$0x597];
	_ =	sdelay $0x3  }
0x118: {  	s2 =	smul.f32 s2, s1;
	_ =	sdelay $0x1  }
0x119: {  	[smem:$0x997] =	sst s2  }
0x11a: {  	s2 =	sld [smem:$0x598];
	_ =	sdelay $0x3  }
0x11b: {  	s2 =	smul.f32 s2, s1;
	_ =	sdelay $0x1  }
0x11c: {  	[smem:$0x998] =	sst s2  }
0x11d: {  	s2 =	sld [smem:$0x599];
	_ =	sdelay $0x3  }
0x11e: {  	s1 =	smul.f32 s2, s1;
	_ =	sdelay $0x1  }
0x11f: {  	[smem:$0x999] =	sst s1  }
0x120: {  	s1 =	sld [smem:$0x210]  }
0x121: {  	s21 =	sld [smem:$0x610];
	_ =	sdelay $0x3  }
0x122: {  	s2 =	smul.f32 s21, s1;
	_ =	sdelay $0x1  }
0x123: {  	[smem:$0xA10] =	sst s2  }
0x124: {  	s2 =	sld [smem:$0x611];
	_ =	sdelay $0x3  }
0x125: {  	s2 =	smul.f32 s2, s1;
	_ =	sdelay $0x1  }
0x126: {  	[smem:$0xA11] =	sst s2  }
0x127: {  	s2 =	sld [smem:$0x612];
	_ =	sdelay $0x3  }
0x128: {  	s2 =	smul.f32 s2, s1;
	_ =	sdelay $0x1  }
0x129: {  	[smem:$0xA12] =	sst s2  }
0x12a: {  	s2 =	sld [smem:$0x613];
	_ =	sdelay $0x3  }
0x12b: {  	s2 =	smul.f32 s2, s1;
	_ =	sdelay $0x1  }
0x12c: {  	[smem:$0xA13] =	sst s2  }
0x12d: {  	s2 =	sld [smem:$0x614];
	_ =	sdelay $0x3  }
0x12e: {  	s2 =	smul.f32 s2, s1;
	_ =	sdelay $0x1  }
0x12f: {  	[smem:$0xA14] =	sst s2  }
0x130: {  	s2 =	sld [smem:$0x615];
	_ =	sdelay $0x3  }
0x131: {  	s2 =	smul.f32 s2, s1;
	_ =	sdelay $0x1  }
0x132: {  	[smem:$0xA15] =	sst s2  }
0x133: {  	s2 =	sld [smem:$0x616];
	_ =	sdelay $0x3  }
0x134: {  	s2 =	smul.f32 s2, s1;
	_ =	sdelay $0x1  }
0x135: {  	[smem:$0xA16] =	sst s2  }
0x136: {  	s2 =	sld [smem:$0x617];
	_ =	sdelay $0x3  }
0x137: {  	s2 =	smul.f32 s2, s1;
	_ =	sdelay $0x1  }
0x138: {  	[smem:$0xA17] =	sst s2  }
0x139: {  	s2 =	sld [smem:$0x618];
	_ =	sdelay $0x3  }
0x13a: {  	s2 =	smul.f32 s2, s1;
	_ =	sdelay $0x1  }
0x13b: {  	[smem:$0xA18] =	sst s2  }
0x13c: {  	s2 =	sld [smem:$0x619];
	_ =	sdelay $0x3  }
0x13d: {  	s1 =	smul.f32 s2, s1;
	_ =	sdelay $0x1  }
0x13e: {  	[smem:$0xA19] =	sst s1  }
0x13f: {  	s1 =	sld [smem:$0x290]  }
0x140: {  	s22 =	sld [smem:$0x690];
	_ =	sdelay $0x3  }
0x141: {  	s2 =	smul.f32 s22, s1;
	_ =	sdelay $0x1  }
0x142: {  	[smem:$0xA90] =	sst s2  }
0x143: {  	s2 =	sld [smem:$0x691];
	_ =	sdelay $0x3  }
0x144: {  	s2 =	smul.f32 s2, s1;
	_ =	sdelay $0x1  }
0x145: {  	[smem:$0xA91] =	sst s2  }
0x146: {  	s2 =	sld [smem:$0x692];
	_ =	sdelay $0x3  }
0x147: {  	s2 =	smul.f32 s2, s1;
	_ =	sdelay $0x1  }
0x148: {  	[smem:$0xA92] =	sst s2  }
0x149: {  	s2 =	sld [smem:$0x693];
	_ =	sdelay $0x3  }
0x14a: {  	s2 =	smul.f32 s2, s1;
	_ =	sdelay $0x1  }
0x14b: {  	[smem:$0xA93] =	sst s2  }
0x14c: {  	s2 =	sld [smem:$0x694];
	_ =	sdelay $0x3  }
0x14d: {  	s2 =	smul.f32 s2, s1;
	_ =	sdelay $0x1  }
0x14e: {  	[smem:$0xA94] =	sst s2  }
0x14f: {  	s2 =	sld [smem:$0x695];
	_ =	sdelay $0x3  }
0x150: {  	s2 =	smul.f32 s2, s1;
	_ =	sdelay $0x1  }
0x151: {  	[smem:$0xA95] =	sst s2  }
0x152: {  	s2 =	sld [smem:$0x696];
	_ =	sdelay $0x3  }
0x153: {  	s2 =	smul.f32 s2, s1;
	_ =	sdelay $0x1  }
0x154: {  	[smem:$0xA96] =	sst s2  }
0x155: {  	s2 =	sld [smem:$0x697];
	_ =	sdelay $0x3  }
0x156: {  	s2 =	smul.f32 s2, s1;
	_ =	sdelay $0x1  }
0x157: {  	[smem:$0xA97] =	sst s2  }
0x158: {  	s2 =	sld [smem:$0x698];
	_ =	sdelay $0x3  }
0x159: {  	s2 =	smul.f32 s2, s1;
	_ =	sdelay $0x1  }
0x15a: {  	[smem:$0xA98] =	sst s2  }
0x15b: {  	s2 =	sld [smem:$0x699];
	_ =	sdelay $0x3  }
0x15c: {  	s1 =	smul.f32 s2, s1;
	_ =	sdelay $0x1  }
0x15d: {  	[smem:$0xA99] =	sst s1  }
0x15e: {  	s1 =	sld [smem:$0x310]  }
0x15f: {  	s23 =	sld [smem:$0x710];
	_ =	sdelay $0x3  }
0x160: {  	s2 =	smul.f32 s23, s1;
	_ =	sdelay $0x1  }
0x161: {  	[smem:$0xB10] =	sst s2  }
0x162: {  	s2 =	sld [smem:$0x711];
	_ =	sdelay $0x3  }
0x163: {  	s2 =	smul.f32 s2, s1;
	_ =	sdelay $0x1  }
0x164: {  	[smem:$0xB11] =	sst s2  }
0x165: {  	s2 =	sld [smem:$0x712];
	_ =	sdelay $0x3  }
0x166: {  	s2 =	smul.f32 s2, s1;
	_ =	sdelay $0x1  }
0x167: {  	[smem:$0xB12] =	sst s2  }
0x168: {  	s2 =	sld [smem:$0x713];
	_ =	sdelay $0x3  }
0x169: {  	s2 =	smul.f32 s2, s1;
	_ =	sdelay $0x1  }
0x16a: {  	[smem:$0xB13] =	sst s2  }
0x16b: {  	s2 =	sld [smem:$0x714];
	_ =	sdelay $0x3  }
0x16c: {  	s2 =	smul.f32 s2, s1;
	_ =	sdelay $0x1  }
0x16d: {  	[smem:$0xB14] =	sst s2  }
0x16e: {  	s2 =	sld [smem:$0x715];
	_ =	sdelay $0x3  }
0x16f: {  	s2 =	smul.f32 s2, s1;
	_ =	sdelay $0x1  }
0x170: {  	[smem:$0xB15] =	sst s2  }
0x171: {  	s2 =	sld [smem:$0x716];
	_ =	sdelay $0x3  }
0x172: {  	s2 =	smul.f32 s2, s1;
	_ =	sdelay $0x1  }
0x173: {  	[smem:$0xB16] =	sst s2  }
0x174: {  	s2 =	sld [smem:$0x717];
	_ =	sdelay $0x3  }
0x175: {  	s2 =	smul.f32 s2, s1;
	_ =	sdelay $0x1  }
0x176: {  	[smem:$0xB17] =	sst s2  }
0x177: {  	s2 =	sld [smem:$0x718];
	_ =	sdelay $0x3  }
0x178: {  	s2 =	smul.f32 s2, s1;
	_ =	sdelay $0x1  }
0x179: {  	[smem:$0xB18] =	sst s2  }
0x17a: {  	s2 =	sld [smem:$0x719];
	_ =	sdelay $0x3  }
0x17b: {  	s1 =	smul.f32 s2, s1;
	_ =	sdelay $0x1  }
0x17c: {  	[smem:$0xB19] =	sst s1  }
0x17d: {  	s1 =	sld [smem:$0x390]  }
0x17e: {  	s24 =	sld [smem:$0x790];
	_ =	sdelay $0x3  }
0x17f: {  	s2 =	smul.f32 s24, s1;
	_ =	sdelay $0x1  }
0x180: {  	[smem:$0xB90] =	sst s2  }
0x181: {  	s2 =	sld [smem:$0x791];
	_ =	sdelay $0x3  }
0x182: {  	s2 =	smul.f32 s2, s1;
	_ =	sdelay $0x1  }
0x183: {  	[smem:$0xB91] =	sst s2  }
0x184: {  	s2 =	sld [smem:$0x792];
	_ =	sdelay $0x3  }
0x185: {  	s2 =	smul.f32 s2, s1;
	_ =	sdelay $0x1  }
0x186: {  	[smem:$0xB92] =	sst s2  }
0x187: {  	s2 =	sld [smem:$0x793];
	_ =	sdelay $0x3  }
0x188: {  	s2 =	smul.f32 s2, s1;
	_ =	sdelay $0x1  }
0x189: {  	[smem:$0xB93] =	sst s2  }
0x18a: {  	s2 =	sld [smem:$0x794];
	_ =	sdelay $0x3  }
0x18b: {  	s2 =	smul.f32 s2, s1;
	_ =	sdelay $0x1  }
0x18c: {  	[smem:$0xB94] =	sst s2  }
0x18d: {  	s2 =	sld [smem:$0x795];
	_ =	sdelay $0x3  }
0x18e: {  	s2 =	smul.f32 s2, s1;
	_ =	sdelay $0x1  }
0x18f: {  	[smem:$0xB95] =	sst s2  }
0x190: {  	s2 =	sld [smem:$0x796];
	_ =	sdelay $0x3  }
0x191: {  	s2 =	smul.f32 s2, s1;
	_ =	sdelay $0x1  }
0x192: {  	[smem:$0xB96] =	sst s2  }
0x193: {  	s2 =	sld [smem:$0x797];
	_ =	sdelay $0x3  }
0x194: {  	s2 =	smul.f32 s2, s1;
	_ =	sdelay $0x1  }
0x195: {  	[smem:$0xB97] =	sst s2  }
0x196: {  	s2 =	sld [smem:$0x798];
	_ =	sdelay $0x3  }
0x197: {  	s2 =	smul.f32 s2, s1;
	_ =	sdelay $0x1  }
0x198: {  	[smem:$0xB98] =	sst s2  }
0x199: {  	s2 =	sld [smem:$0x799];
	_ =	sdelay $0x3  }
0x19a: {  	s1 =	smul.f32 s2, s1;
	_ =	sdelay $0x1  }
0x19b: {  	s25 =	simm.s32 $0x810;
	s26 =	simm.s32 $0xA;
	[smem:$0xB99] =	sst s1  }
0x19c: {  	[hbm:s0], [sflag:s26] =	dma.local [smem:s25], $0x80  }
0x19d: {  	_ =	swait.ge [sflag:s26], $0x80  }
0x19e: {  	[sflag:s26] =	ssyncset.done $0x0  }
0x19f: {  	[sflag:s26] =	ssyncadd.s32 $0xFFFFFF80  }
0x1a0: {  	_ =	strace $0x90000046  }
0x1a1: {  	_ =	sfence  }
0x1a2: {  	s28 =	sld [smem:$0x0];
	_ =	sdelay $0x1  }
0x1a3: {  	s29 =	srdreg.scid  }
0x1a4: {  	s30 =	sshll.u32 s29, $0xD;
	s31 =	sshrl.u32 s29, $0x2  }
0x1a5: {  	s2 =	sand.u32 $0x4000, s30;
	s1 =	sand.u32 $0x1, s29;
	s0 =	sadd.s32 s31, s28  }
0x1a6: {  	s1 =	sor.u32 s2, s1;
	s0 =	sshll.u32 s0, $0x11  }
0x1a7: {  	s0 =	sor.u32 s0, s1  }
0x1a8: {  	s0 =	sadd.s32 $0x8F2B, s0;
	(pc) =	sbr.abs _section_cstart, $3  }
0x1a9: {  	[sflag:s0] =	ssyncadd.remote.s32 $0x1  }
0x1aa: {  	_ =	strace $0x9FFFFFFF  }
0x1ab: {  	(tm) =	ssettm $0x7FFFFFFF  }

</sc_bundles>
